<compile_context>
chip_gen: v7x
topology: tpu7x:2x2x1
jax: 0.10.2.dev20260603
libtpu: 0.0.44.dev20260713+nightly
codegen_flags: <defaults>
</compile_context>

<pallas_src>
import jax
import jax.numpy as jnp
from jax import lax
from jax.experimental import pallas as pl
from jax.experimental.pallas import tpu as pltpu
from jax.experimental.pallas import tpu_sc as plsc

BATCH = 16384
N_FIELDS = 100
WIDE = 1000001
NC = 2
NS = 16
NW = NC * NS
BPW = BATCH // NW
EPW = BPW * N_FIELDS
LANES = 16
NCHUNK = 4
CPF = N_FIELDS // NCHUNK
CEL = CPF * BPW


def _tree_sum(terms):
    while len(terms) > 1:
        nxt = [terms[i] + terms[i + 1] for i in range(0, len(terms) - 1, 2)]
        if len(terms) % 2:
            nxt.append(terms[-1])
        terms = nxt
    return terms[0]


def _wide_body(idx_hbm, table_hbm, bias_hbm, out_hbm,
               idx_v, vals_v, out_v, bias_v, sem, gsem0, gsem1):
    wid = lax.axis_index("s") * NC + lax.axis_index("c")
    b0 = wid * BPW
    tview = table_hbm.at[0]
    gsems = (gsem0, gsem1)

    def stage_fire(c):
        def fire(fi, carry):
            pltpu.async_copy(idx_hbm.at[fi, pl.ds(b0, BPW)],
                             idx_v.at[pl.ds(fi * BPW, BPW)], sem)
            return carry
        lax.fori_loop(c * CPF, (c + 1) * CPF, fire, 0)

    def stage_drain():
        def drain(fi, carry):
            pltpu.make_async_copy(idx_hbm.at[0, pl.ds(b0, BPW)],
                                  idx_v.at[pl.ds(0, BPW)], sem).wait()
            return carry
        lax.fori_loop(0, CPF, drain, 0)

    def fire_gather(c):
        return pltpu.async_copy(
            tview.at[idx_v.at[pl.ds(c * CEL, CEL)]],
            vals_v.at[pl.ds(c * CEL, CEL)], gsems[c % 2])

    def reduce_chunk(c):
        base = c * CEL

        def g_body(g, carry):
            col0 = g * LANES
            terms = [vals_v[pl.ds(base + f * BPW + col0, LANES)]
                     for f in range(CPF)]
            if c == 0:
                terms.append(bias_v[...])
            else:
                terms.append(out_v[pl.ds(col0, LANES)])
            out_v[pl.ds(col0, LANES)] = _tree_sum(terms)
            return carry

        lax.fori_loop(0, BPW // LANES, g_body, 0)

    stage_fire(0)
    pltpu.sync_copy(bias_hbm, bias_v)
    stage_drain()
    g0 = fire_gather(0)
    stage_fire(1)
    stage_drain()
    g1 = fire_gather(1)
    stage_fire(2)
    g0.wait()
    reduce_chunk(0)
    stage_drain()
    g2 = fire_gather(2)
    stage_fire(3)
    g1.wait()
    reduce_chunk(1)
    stage_drain()
    g3 = fire_gather(3)
    g2.wait()
    reduce_chunk(2)
    g3.wait()
    reduce_chunk(3)

    pltpu.sync_copy(out_v, out_hbm.at[pl.ds(b0, BPW)])


def kernel(inputs, table, bias):
    idx_t = inputs.astype(jnp.int32).T
    table2 = table.reshape(1, WIDE)
    bias16 = jnp.broadcast_to(bias.astype(jnp.float32), (LANES,))
    mesh = plsc.VectorSubcoreMesh(core_axis_name="c", subcore_axis_name="s")
    out = pl.kernel(
        _wide_body,
        out_type=jax.ShapeDtypeStruct((BATCH,), jnp.float32),
        mesh=mesh,
        scratch_types=[
            pltpu.VMEM((EPW,), jnp.int32),
            pltpu.VMEM((EPW,), jnp.float32),
            pltpu.VMEM((BPW,), jnp.float32),
            pltpu.VMEM((LANES,), jnp.float32),
            pltpu.SemaphoreType.DMA,
            pltpu.SemaphoreType.DMA,
            pltpu.SemaphoreType.DMA,
        ],
    )(idx_t, table2, bias16)
    return out.reshape(BATCH, 1)

# --- scband reference (transcript-rebuilt; emitter-appended) ---
"""Pipeline reference for scband-wide-1099511628168 (READ-ONLY COPY).

The authoritative reference and input builder live on the scoring server;
editing this copy changes nothing except your own understanding.
"""

import jax, jax.numpy as jnp
import numpy as np
import math

WIDE_DIM = 1000000
PRED_DIM = 1
BATCH = 16384
N_FIELDS = 100

def setup_inputs(seed: int = 0) -> dict:
    key = jax.random.key(seed)
    k_idx, k_w, k_b = jax.random.split(key, 3)
    inputs = jax.random.randint(k_idx, (BATCH, N_FIELDS), 0, WIDE_DIM + 1, dtype=jnp.int64 if jax.config.jax_enable_x64 else jnp.int32)
    # kaiming_uniform_(a=sqrt(5)) on weight [wide_dim+1, pred_dim]: fan_in = pred_dim
    fan_in = PRED_DIM
    gain = math.sqrt(2.0 / (1 + 5.0))
    bound_w = gain * math.sqrt(3.0 / fan_in)
    table = jax.random.uniform(k_w, (WIDE_DIM + 1, PRED_DIM), minval=-bound_w, maxval=bound_w, dtype=jnp.float32)
    # padding_idx=0 -> row 0 zeroed at init
    table = table.at[0].set(0.0)
    bound_b = 1.0 / math.sqrt(fan_in)
    bias = jax.random.uniform(k_b, (PRED_DIM,), minval=-bound_b, maxval=bound_b, dtype=jnp.float32)
    return {"inputs": inputs, "table": table, "bias": bias}

def reference(inputs, table, bias):
    # wide_linear(inputs).sum(dim=1) + bias
    emb = jnp.take(table, inputs, axis=0)        # [B, F, pred_dim]
    out = emb.sum(axis=1) + bias                  # [B, pred_dim]
    return out

if __name__ == "__main__":
    import jax
    _d = setup_inputs()
    print(jax.jit(kernel)(*tuple(_d.values())))

</pallas_src>

<mosaic_0001>
#map = affine_map<(d0, d1) -> (0, 0)>
#map1 = affine_map<(d0, d1) -> (0)>
module attributes {stable_mosaic.version = 14 : i64} {
  func.func @_wide_body(%arg0: i32, %arg1: i32, %arg2: memref<100x16384xi32, #tpu.memory_space<hbm>>, %arg3: memref<1x1000001xf32, #tpu.memory_space<hbm>>, %arg4: memref<16xf32, #tpu.memory_space<hbm>>, %arg5: memref<16384xf32, #tpu.memory_space<hbm>>, %arg6: memref<51200xi32, #tpu.memory_space<vmem>>, %arg7: memref<51200xf32, #tpu.memory_space<vmem>>, %arg8: memref<512xf32, #tpu.memory_space<vmem>>, %arg9: memref<16xf32, #tpu.memory_space<vmem>>, %arg10: memref<!tpu.dma_semaphore, #tpu.memory_space<semaphore_mem>>, %arg11: memref<!tpu.dma_semaphore, #tpu.memory_space<semaphore_mem>>, %arg12: memref<!tpu.dma_semaphore, #tpu.memory_space<semaphore_mem>>) attributes {dimension_semantics = [#tpu.dimension_semantics<core_parallel>, #tpu.dimension_semantics<subcore_parallel>], iteration_bounds = array<i64: 2, 16>, scalar_prefetch = 0 : i64, scratch_operands = 7 : i64, tpu.core_type = #tpu.core_type<sc_vector_subcore>, window_params = [{transform_indices = #map}, {transform_indices = #map}, {transform_indices = #map1}, {transform_indices = #map1}]} {
    %mul3A = arith.constant 2 : i32
    %mul3A_0 = arith.muli %arg1, %mul3A : i32
    %add3A = arith.addi %mul3A_0, %arg0 : i32
    %mul3A_1 = arith.constant 512 : i32
    %mul3A_2 = arith.muli %add3A, %mul3A_1 : i32
    %scan3A = arith.constant 0 : i32
    %scan3A_3 = arith.constant 0 : i32
    %scan3A_4 = arith.constant 25 : i32
    %scan3A_5 = arith.addi %scan3A_3, %scan3A_4 : i32
    %scan3A_6 = arith.constant 1 : i32
    scf.for %scan3A_152 = %scan3A_3 to %scan3A_5 step %scan3A_6  : i32 {
      %mul3A_153 = arith.constant 512 : i32
      %mul3A_154 = arith.muli %scan3A_152, %mul3A_153 : i32
      %dma_start3A_155 = tpu.memref_slice %arg6[%mul3A_154] : memref<51200xi32, #tpu.memory_space<vmem>> -> memref<512xi32, #tpu.memory_space<vmem>>
      %dma_start3A_156 = tpu.memref_slice %arg2[%scan3A_152, %mul3A_2] : memref<100x16384xi32, #tpu.memory_space<hbm>> -> memref<1x512xi32, #tpu.memory_space<hbm>>
      %dma_start3A_157 = tpu.memref_squeeze %dma_start3A_156 : memref<1x512xi32, #tpu.memory_space<hbm>> -> memref<512xi32, #tpu.memory_space<hbm>>
      %dma_start3A_158 = tpu.memref_slice %arg6[%mul3A_154] : memref<51200xi32, #tpu.memory_space<vmem>> -> memref<512xi32, #tpu.memory_space<vmem>>
      %dma_start3A_159 = tpu.memref_slice %arg2[%scan3A_152, %mul3A_2] : memref<100x16384xi32, #tpu.memory_space<hbm>> -> memref<1x512xi32, #tpu.memory_space<hbm>>
      %dma_start3A_160 = tpu.memref_squeeze %dma_start3A_159 : memref<1x512xi32, #tpu.memory_space<hbm>> -> memref<512xi32, #tpu.memory_space<hbm>>
      tpu.enqueue_dma source(%dma_start3A_160 : memref<512xi32, #tpu.memory_space<hbm>>) target(%dma_start3A_158 : memref<512xi32, #tpu.memory_space<vmem>>) target_semaphore(%arg10 : memref<!tpu.dma_semaphore, #tpu.memory_space<semaphore_mem>>)
    }
    %scan3A_7 = arith.constant 25 : i32
    "tpu.region"() ({
      %run_scoped3A = tpu.sem_alloc : memref<!tpu.dma_semaphore, #tpu.memory_space<semaphore_mem>>
      tpu.enqueue_dma source(%arg4 : memref<16xf32, #tpu.memory_space<hbm>>) target(%arg9 : memref<16xf32, #tpu.memory_space<vmem>>) target_semaphore(%run_scoped3A : memref<!tpu.dma_semaphore, #tpu.memory_space<semaphore_mem>>)
      tpu.wait_dma2 semaphore(%run_scoped3A : memref<!tpu.dma_semaphore, #tpu.memory_space<semaphore_mem>>) src(%arg4 : memref<16xf32, #tpu.memory_space<hbm>>) dst(%arg9 : memref<16xf32, #tpu.memory_space<vmem>>)
      tpu.yield
    }) : () -> ()
    %scan3A_8 = arith.constant 0 : i32
    %scan3A_9 = arith.constant 0 : i32
    %scan3A_10 = arith.constant 25 : i32
    %scan3A_11 = arith.addi %scan3A_9, %scan3A_10 : i32
    %scan3A_12 = arith.constant 1 : i32
    scf.for %scan3A_152 = %scan3A_9 to %scan3A_11 step %scan3A_12  : i32 {
      %dma_wait3A_153 = arith.constant 0 : i32
      %dma_wait3A_154 = arith.constant 0 : i32
      %dma_wait3A_155 = tpu.memref_slice %arg6[%dma_wait3A_154] : memref<51200xi32, #tpu.memory_space<vmem>> -> memref<512xi32, #tpu.memory_space<vmem>>
      %dma_wait3A_156 = tpu.memref_slice %arg2[%dma_wait3A_153, %mul3A_2] : memref<100x16384xi32, #tpu.memory_space<hbm>> -> memref<1x512xi32, #tpu.memory_space<hbm>>
      %dma_wait3A_157 = tpu.memref_squeeze %dma_wait3A_156 : memref<1x512xi32, #tpu.memory_space<hbm>> -> memref<512xi32, #tpu.memory_space<hbm>>
      %dma_wait3A_158 = arith.constant 0 : i32
      %dma_wait3A_159 = tpu.memref_slice %arg6[%dma_wait3A_158] : memref<51200xi32, #tpu.memory_space<vmem>> -> memref<512xi32, #tpu.memory_space<vmem>>
      %dma_wait3A_160 = tpu.memref_slice %arg2[%dma_wait3A_153, %mul3A_2] : memref<100x16384xi32, #tpu.memory_space<hbm>> -> memref<1x512xi32, #tpu.memory_space<hbm>>
      %dma_wait3A_161 = tpu.memref_squeeze %dma_wait3A_160 : memref<1x512xi32, #tpu.memory_space<hbm>> -> memref<512xi32, #tpu.memory_space<hbm>>
      tpu.wait_dma2 semaphore(%arg10 : memref<!tpu.dma_semaphore, #tpu.memory_space<semaphore_mem>>) src(%dma_wait3A_161 : memref<512xi32, #tpu.memory_space<hbm>>) dst(%dma_wait3A_159 : memref<512xi32, #tpu.memory_space<vmem>>)
    }
    %scan3A_13 = arith.constant 25 : i32
    %dma_start3A = arith.constant 0 : i32
    %dma_start3A_14 = arith.constant 0 : i32
    %dma_start3A_15 = tpu.memref_slice %arg7[%dma_start3A_14] : memref<51200xf32, #tpu.memory_space<vmem>> -> memref<12800xf32, #tpu.memory_space<vmem>>
    %dma_start3A_16 = arith.constant 0 : i32
    %dma_start3A_17 = tpu.memref_slice %arg6[%dma_start3A_16] : memref<51200xi32, #tpu.memory_space<vmem>> -> memref<12800xi32, #tpu.memory_space<vmem>>
    %dma_start3A_18 = arith.constant 0 : i32
    %dma_start3A_19 = tpu.memref_slice %arg3[%dma_start3A, %dma_start3A_18] : memref<1x1000001xf32, #tpu.memory_space<hbm>> -> memref<1x1000001xf32, #tpu.memory_space<hbm>>
    %dma_start3A_20 = tpu.memref_squeeze %dma_start3A_19 : memref<1x1000001xf32, #tpu.memory_space<hbm>> -> memref<1000001xf32, #tpu.memory_space<hbm>>
    %dma_start3A_21 = arith.constant 0 : i32
    %dma_start3A_22 = tpu.memref_slice %dma_start3A_20[%dma_start3A_21] : memref<1000001xf32, #tpu.memory_space<hbm>> -> memref<1000001xf32, #tpu.memory_space<hbm>>
    tpu.enqueue_indirect_dma source(%dma_start3A_22 : memref<1000001xf32, #tpu.memory_space<hbm>>) target(%dma_start3A_15 : memref<12800xf32, #tpu.memory_space<vmem>>) offsets(%dma_start3A_17 : memref<12800xi32, #tpu.memory_space<vmem>>) semaphore(%arg11 : memref<!tpu.dma_semaphore, #tpu.memory_space<semaphore_mem>>)
    %scan3A_23 = arith.constant 0 : i32
    %scan3A_24 = arith.constant 25 : i32
    %scan3A_25 = arith.constant 25 : i32
    %scan3A_26 = arith.addi %scan3A_24, %scan3A_25 : i32
    %scan3A_27 = arith.constant 1 : i32
    scf.for %scan3A_152 = %scan3A_24 to %scan3A_26 step %scan3A_27  : i32 {
      %mul3A_153 = arith.constant 512 : i32
      %mul3A_154 = arith.muli %scan3A_152, %mul3A_153 : i32
      %dma_start3A_155 = tpu.memref_slice %arg6[%mul3A_154] : memref<51200xi32, #tpu.memory_space<vmem>> -> memref<512xi32, #tpu.memory_space<vmem>>
      %dma_start3A_156 = tpu.memref_slice %arg2[%scan3A_152, %mul3A_2] : memref<100x16384xi32, #tpu.memory_space<hbm>> -> memref<1x512xi32, #tpu.memory_space<hbm>>
      %dma_start3A_157 = tpu.memref_squeeze %dma_start3A_156 : memref<1x512xi32, #tpu.memory_space<hbm>> -> memref<512xi32, #tpu.memory_space<hbm>>
      %dma_start3A_158 = tpu.memref_slice %arg6[%mul3A_154] : memref<51200xi32, #tpu.memory_space<vmem>> -> memref<512xi32, #tpu.memory_space<vmem>>
      %dma_start3A_159 = tpu.memref_slice %arg2[%scan3A_152, %mul3A_2] : memref<100x16384xi32, #tpu.memory_space<hbm>> -> memref<1x512xi32, #tpu.memory_space<hbm>>
      %dma_start3A_160 = tpu.memref_squeeze %dma_start3A_159 : memref<1x512xi32, #tpu.memory_space<hbm>> -> memref<512xi32, #tpu.memory_space<hbm>>
      tpu.enqueue_dma source(%dma_start3A_160 : memref<512xi32, #tpu.memory_space<hbm>>) target(%dma_start3A_158 : memref<512xi32, #tpu.memory_space<vmem>>) target_semaphore(%arg10 : memref<!tpu.dma_semaphore, #tpu.memory_space<semaphore_mem>>)
    }
    %scan3A_28 = arith.constant 25 : i32
    %scan3A_29 = arith.constant 0 : i32
    %scan3A_30 = arith.constant 0 : i32
    %scan3A_31 = arith.constant 25 : i32
    %scan3A_32 = arith.addi %scan3A_30, %scan3A_31 : i32
    %scan3A_33 = arith.constant 1 : i32
    scf.for %scan3A_152 = %scan3A_30 to %scan3A_32 step %scan3A_33  : i32 {
      %dma_wait3A_153 = arith.constant 0 : i32
      %dma_wait3A_154 = arith.constant 0 : i32
      %dma_wait3A_155 = tpu.memref_slice %arg6[%dma_wait3A_154] : memref<51200xi32, #tpu.memory_space<vmem>> -> memref<512xi32, #tpu.memory_space<vmem>>
      %dma_wait3A_156 = tpu.memref_slice %arg2[%dma_wait3A_153, %mul3A_2] : memref<100x16384xi32, #tpu.memory_space<hbm>> -> memref<1x512xi32, #tpu.memory_space<hbm>>
      %dma_wait3A_157 = tpu.memref_squeeze %dma_wait3A_156 : memref<1x512xi32, #tpu.memory_space<hbm>> -> memref<512xi32, #tpu.memory_space<hbm>>
      %dma_wait3A_158 = arith.constant 0 : i32
      %dma_wait3A_159 = tpu.memref_slice %arg6[%dma_wait3A_158] : memref<51200xi32, #tpu.memory_space<vmem>> -> memref<512xi32, #tpu.memory_space<vmem>>
      %dma_wait3A_160 = tpu.memref_slice %arg2[%dma_wait3A_153, %mul3A_2] : memref<100x16384xi32, #tpu.memory_space<hbm>> -> memref<1x512xi32, #tpu.memory_space<hbm>>
      %dma_wait3A_161 = tpu.memref_squeeze %dma_wait3A_160 : memref<1x512xi32, #tpu.memory_space<hbm>> -> memref<512xi32, #tpu.memory_space<hbm>>
      tpu.wait_dma2 semaphore(%arg10 : memref<!tpu.dma_semaphore, #tpu.memory_space<semaphore_mem>>) src(%dma_wait3A_161 : memref<512xi32, #tpu.memory_space<hbm>>) dst(%dma_wait3A_159 : memref<512xi32, #tpu.memory_space<vmem>>)
    }
    %scan3A_34 = arith.constant 25 : i32
    %dma_start3A_35 = arith.constant 0 : i32
    %dma_start3A_36 = arith.constant 12800 : i32
    %dma_start3A_37 = tpu.memref_slice %arg7[%dma_start3A_36] : memref<51200xf32, #tpu.memory_space<vmem>> -> memref<12800xf32, #tpu.memory_space<vmem>>
    %dma_start3A_38 = arith.constant 12800 : i32
    %dma_start3A_39 = tpu.memref_slice %arg6[%dma_start3A_38] : memref<51200xi32, #tpu.memory_space<vmem>> -> memref<12800xi32, #tpu.memory_space<vmem>>
    %dma_start3A_40 = arith.constant 0 : i32
    %dma_start3A_41 = tpu.memref_slice %arg3[%dma_start3A_35, %dma_start3A_40] : memref<1x1000001xf32, #tpu.memory_space<hbm>> -> memref<1x1000001xf32, #tpu.memory_space<hbm>>
    %dma_start3A_42 = tpu.memref_squeeze %dma_start3A_41 : memref<1x1000001xf32, #tpu.memory_space<hbm>> -> memref<1000001xf32, #tpu.memory_space<hbm>>
    %dma_start3A_43 = arith.constant 0 : i32
    %dma_start3A_44 = tpu.memref_slice %dma_start3A_42[%dma_start3A_43] : memref<1000001xf32, #tpu.memory_space<hbm>> -> memref<1000001xf32, #tpu.memory_space<hbm>>
    tpu.enqueue_indirect_dma source(%dma_start3A_44 : memref<1000001xf32, #tpu.memory_space<hbm>>) target(%dma_start3A_37 : memref<12800xf32, #tpu.memory_space<vmem>>) offsets(%dma_start3A_39 : memref<12800xi32, #tpu.memory_space<vmem>>) semaphore(%arg12 : memref<!tpu.dma_semaphore, #tpu.memory_space<semaphore_mem>>)
    %scan3A_45 = arith.constant 0 : i32
    %scan3A_46 = arith.constant 50 : i32
    %scan3A_47 = arith.constant 25 : i32
    %scan3A_48 = arith.addi %scan3A_46, %scan3A_47 : i32
    %scan3A_49 = arith.constant 1 : i32
    scf.for %scan3A_152 = %scan3A_46 to %scan3A_48 step %scan3A_49  : i32 {
      %mul3A_153 = arith.constant 512 : i32
      %mul3A_154 = arith.muli %scan3A_152, %mul3A_153 : i32
      %dma_start3A_155 = tpu.memref_slice %arg6[%mul3A_154] : memref<51200xi32, #tpu.memory_space<vmem>> -> memref<512xi32, #tpu.memory_space<vmem>>
      %dma_start3A_156 = tpu.memref_slice %arg2[%scan3A_152, %mul3A_2] : memref<100x16384xi32, #tpu.memory_space<hbm>> -> memref<1x512xi32, #tpu.memory_space<hbm>>
      %dma_start3A_157 = tpu.memref_squeeze %dma_start3A_156 : memref<1x512xi32, #tpu.memory_space<hbm>> -> memref<512xi32, #tpu.memory_space<hbm>>
      %dma_start3A_158 = tpu.memref_slice %arg6[%mul3A_154] : memref<51200xi32, #tpu.memory_space<vmem>> -> memref<512xi32, #tpu.memory_space<vmem>>
      %dma_start3A_159 = tpu.memref_slice %arg2[%scan3A_152, %mul3A_2] : memref<100x16384xi32, #tpu.memory_space<hbm>> -> memref<1x512xi32, #tpu.memory_space<hbm>>
      %dma_start3A_160 = tpu.memref_squeeze %dma_start3A_159 : memref<1x512xi32, #tpu.memory_space<hbm>> -> memref<512xi32, #tpu.memory_space<hbm>>
      tpu.enqueue_dma source(%dma_start3A_160 : memref<512xi32, #tpu.memory_space<hbm>>) target(%dma_start3A_158 : memref<512xi32, #tpu.memory_space<vmem>>) target_semaphore(%arg10 : memref<!tpu.dma_semaphore, #tpu.memory_space<semaphore_mem>>)
    }
    %scan3A_50 = arith.constant 25 : i32
    %dma_wait3A = arith.constant 0 : i32
    %dma_wait3A_51 = arith.constant 0 : i32
    %dma_wait3A_52 = tpu.memref_slice %arg7[%dma_wait3A_51] : memref<51200xf32, #tpu.memory_space<vmem>> -> memref<12800xf32, #tpu.memory_space<vmem>>
    %dma_wait3A_53 = arith.constant 0 : i32
    %dma_wait3A_54 = tpu.memref_slice %arg6[%dma_wait3A_53] : memref<51200xi32, #tpu.memory_space<vmem>> -> memref<12800xi32, #tpu.memory_space<vmem>>
    %dma_wait3A_55 = arith.constant 0 : i32
    %dma_wait3A_56 = tpu.memref_slice %arg3[%dma_wait3A, %dma_wait3A_55] : memref<1x1000001xf32, #tpu.memory_space<hbm>> -> memref<1x1000001xf32, #tpu.memory_space<hbm>>
    %dma_wait3A_57 = tpu.memref_squeeze %dma_wait3A_56 : memref<1x1000001xf32, #tpu.memory_space<hbm>> -> memref<1000001xf32, #tpu.memory_space<hbm>>
    %dma_wait3A_58 = arith.constant 0 : i32
    %dma_wait3A_59 = tpu.memref_slice %dma_wait3A_57[%dma_wait3A_58] : memref<1000001xf32, #tpu.memory_space<hbm>> -> memref<1000001xf32, #tpu.memory_space<hbm>>
    tpu.wait_indirect_dma semaphore(%arg11 : memref<!tpu.dma_semaphore, #tpu.memory_space<semaphore_mem>>) src(%dma_wait3A_59 : memref<1000001xf32, #tpu.memory_space<hbm>>) dst(%dma_wait3A_52 : memref<12800xf32, #tpu.memory_space<vmem>>)
    %scan3A_60 = arith.constant 0 : i32
    %scan3A_61 = arith.constant 0 : i32
    %scan3A_62 = arith.constant 32 : i32
    %scan3A_63 = arith.addi %scan3A_61, %scan3A_62 : i32
    %scan3A_64 = arith.constant 1 : i32
    scf.for %scan3A_152 = %scan3A_61 to %scan3A_63 step %scan3A_64  : i32 {
      %mul3A_153 = arith.constant 16 : i32
      %mul3A_154 = arith.muli %scan3A_152, %mul3A_153 : i32
      %add3A_155 = arith.constant 0 : i32
      %add3A_156 = arith.addi %add3A_155, %mul3A_154 : i32
      %get3A = arith.index_cast %add3A_156 : i32 to index
      %get3A_157 = tpu.vector_load %arg7[%get3A] {strides = array<i32>} : memref<51200xf32, #tpu.memory_space<vmem>>, vector<16xf32>,
      %get3A_158 = vector.shape_cast %get3A_157 : vector<16xf32> to vector<16xf32>
      %add3A_159 = arith.constant 512 : i32
      %add3A_160 = arith.addi %add3A_159, %mul3A_154 : i32
      %get3A_161 = arith.index_cast %add3A_160 : i32 to index
      %get3A_162 = tpu.vector_load %arg7[%get3A_161] {strides = array<i32>} : memref<51200xf32, #tpu.memory_space<vmem>>, vector<16xf32>,
      %get3A_163 = vector.shape_cast %get3A_162 : vector<16xf32> to vector<16xf32>
      %add3A_164 = arith.constant 1024 : i32
      %add3A_165 = arith.addi %add3A_164, %mul3A_154 : i32
      %get3A_166 = arith.index_cast %add3A_165 : i32 to index
      %get3A_167 = tpu.vector_load %arg7[%get3A_166] {strides = array<i32>} : memref<51200xf32, #tpu.memory_space<vmem>>, vector<16xf32>,
      %get3A_168 = vector.shape_cast %get3A_167 : vector<16xf32> to vector<16xf32>
      %add3A_169 = arith.constant 1536 : i32
      %add3A_170 = arith.addi %add3A_169, %mul3A_154 : i32
      %get3A_171 = arith.index_cast %add3A_170 : i32 to index
      %get3A_172 = tpu.vector_load %arg7[%get3A_171] {strides = array<i32>} : memref<51200xf32, #tpu.memory_space<vmem>>, vector<16xf32>,
      %get3A_173 = vector.shape_cast %get3A_172 : vector<16xf32> to vector<16xf32>
      %add3A_174 = arith.constant 2048 : i32
      %add3A_175 = arith.addi %add3A_174, %mul3A_154 : i32
      %get3A_176 = arith.index_cast %add3A_175 : i32 to index
      %get3A_177 = tpu.vector_load %arg7[%get3A_176] {strides = array<i32>} : memref<51200xf32, #tpu.memory_space<vmem>>, vector<16xf32>,
      %get3A_178 = vector.shape_cast %get3A_177 : vector<16xf32> to vector<16xf32>
      %add3A_179 = arith.constant 2560 : i32
      %add3A_180 = arith.addi %add3A_179, %mul3A_154 : i32
      %get3A_181 = arith.index_cast %add3A_180 : i32 to index
      %get3A_182 = tpu.vector_load %arg7[%get3A_181] {strides = array<i32>} : memref<51200xf32, #tpu.memory_space<vmem>>, vector<16xf32>,
      %get3A_183 = vector.shape_cast %get3A_182 : vector<16xf32> to vector<16xf32>
      %add3A_184 = arith.constant 3072 : i32
      %add3A_185 = arith.addi %add3A_184, %mul3A_154 : i32
      %get3A_186 = arith.index_cast %add3A_185 : i32 to index
      %get3A_187 = tpu.vector_load %arg7[%get3A_186] {strides = array<i32>} : memref<51200xf32, #tpu.memory_space<vmem>>, vector<16xf32>,
      %get3A_188 = vector.shape_cast %get3A_187 : vector<16xf32> to vector<16xf32>
      %add3A_189 = arith.constant 3584 : i32
      %add3A_190 = arith.addi %add3A_189, %mul3A_154 : i32
      %get3A_191 = arith.index_cast %add3A_190 : i32 to index
      %get3A_192 = tpu.vector_load %arg7[%get3A_191] {strides = array<i32>} : memref<51200xf32, #tpu.memory_space<vmem>>, vector<16xf32>,
      %get3A_193 = vector.shape_cast %get3A_192 : vector<16xf32> to vector<16xf32>
      %add3A_194 = arith.constant 4096 : i32
      %add3A_195 = arith.addi %add3A_194, %mul3A_154 : i32
      %get3A_196 = arith.index_cast %add3A_195 : i32 to index
      %get3A_197 = tpu.vector_load %arg7[%get3A_196] {strides = array<i32>} : memref<51200xf32, #tpu.memory_space<vmem>>, vector<16xf32>,
      %get3A_198 = vector.shape_cast %get3A_197 : vector<16xf32> to vector<16xf32>
      %add3A_199 = arith.constant 4608 : i32
      %add3A_200 = arith.addi %add3A_199, %mul3A_154 : i32
      %get3A_201 = arith.index_cast %add3A_200 : i32 to index
      %get3A_202 = tpu.vector_load %arg7[%get3A_201] {strides = array<i32>} : memref<51200xf32, #tpu.memory_space<vmem>>, vector<16xf32>,
      %get3A_203 = vector.shape_cast %get3A_202 : vector<16xf32> to vector<16xf32>
      %add3A_204 = arith.constant 5120 : i32
      %add3A_205 = arith.addi %add3A_204, %mul3A_154 : i32
      %get3A_206 = arith.index_cast %add3A_205 : i32 to index
      %get3A_207 = tpu.vector_load %arg7[%get3A_206] {strides = array<i32>} : memref<51200xf32, #tpu.memory_space<vmem>>, vector<16xf32>,
      %get3A_208 = vector.shape_cast %get3A_207 : vector<16xf32> to vector<16xf32>
      %add3A_209 = arith.constant 5632 : i32
      %add3A_210 = arith.addi %add3A_209, %mul3A_154 : i32
      %get3A_211 = arith.index_cast %add3A_210 : i32 to index
      %get3A_212 = tpu.vector_load %arg7[%get3A_211] {strides = array<i32>} : memref<51200xf32, #tpu.memory_space<vmem>>, vector<16xf32>,
      %get3A_213 = vector.shape_cast %get3A_212 : vector<16xf32> to vector<16xf32>
      %add3A_214 = arith.constant 6144 : i32
      %add3A_215 = arith.addi %add3A_214, %mul3A_154 : i32
      %get3A_216 = arith.index_cast %add3A_215 : i32 to index
      %get3A_217 = tpu.vector_load %arg7[%get3A_216] {strides = array<i32>} : memref<51200xf32, #tpu.memory_space<vmem>>, vector<16xf32>,
      %get3A_218 = vector.shape_cast %get3A_217 : vector<16xf32> to vector<16xf32>
      %add3A_219 = arith.constant 6656 : i32
      %add3A_220 = arith.addi %add3A_219, %mul3A_154 : i32
      %get3A_221 = arith.index_cast %add3A_220 : i32 to index
      %get3A_222 = tpu.vector_load %arg7[%get3A_221] {strides = array<i32>} : memref<51200xf32, #tpu.memory_space<vmem>>, vector<16xf32>,
      %get3A_223 = vector.shape_cast %get3A_222 : vector<16xf32> to vector<16xf32>
      %add3A_224 = arith.constant 7168 : i32
      %add3A_225 = arith.addi %add3A_224, %mul3A_154 : i32
      %get3A_226 = arith.index_cast %add3A_225 : i32 to index
      %get3A_227 = tpu.vector_load %arg7[%get3A_226] {strides = array<i32>} : memref<51200xf32, #tpu.memory_space<vmem>>, vector<16xf32>,
      %get3A_228 = vector.shape_cast %get3A_227 : vector<16xf32> to vector<16xf32>
      %add3A_229 = arith.constant 7680 : i32
      %add3A_230 = arith.addi %add3A_229, %mul3A_154 : i32
      %get3A_231 = arith.index_cast %add3A_230 : i32 to index
      %get3A_232 = tpu.vector_load %arg7[%get3A_231] {strides = array<i32>} : memref<51200xf32, #tpu.memory_space<vmem>>, vector<16xf32>,
      %get3A_233 = vector.shape_cast %get3A_232 : vector<16xf32> to vector<16xf32>
      %add3A_234 = arith.constant 8192 : i32
      %add3A_235 = arith.addi %add3A_234, %mul3A_154 : i32
      %get3A_236 = arith.index_cast %add3A_235 : i32 to index
      %get3A_237 = tpu.vector_load %arg7[%get3A_236] {strides = array<i32>} : memref<51200xf32, #tpu.memory_space<vmem>>, vector<16xf32>,
      %get3A_238 = vector.shape_cast %get3A_237 : vector<16xf32> to vector<16xf32>
      %add3A_239 = arith.constant 8704 : i32
      %add3A_240 = arith.addi %add3A_239, %mul3A_154 : i32
      %get3A_241 = arith.index_cast %add3A_240 : i32 to index
      %get3A_242 = tpu.vector_load %arg7[%get3A_241] {strides = array<i32>} : memref<51200xf32, #tpu.memory_space<vmem>>, vector<16xf32>,
      %get3A_243 = vector.shape_cast %get3A_242 : vector<16xf32> to vector<16xf32>
      %add3A_244 = arith.constant 9216 : i32
      %add3A_245 = arith.addi %add3A_244, %mul3A_154 : i32
      %get3A_246 = arith.index_cast %add3A_245 : i32 to index
      %get3A_247 = tpu.vector_load %arg7[%get3A_246] {strides = array<i32>} : memref<51200xf32, #tpu.memory_space<vmem>>, vector<16xf32>,
      %get3A_248 = vector.shape_cast %get3A_247 : vector<16xf32> to vector<16xf32>
      %add3A_249 = arith.constant 9728 : i32
      %add3A_250 = arith.addi %add3A_249, %mul3A_154 : i32
      %get3A_251 = arith.index_cast %add3A_250 : i32 to index
      %get3A_252 = tpu.vector_load %arg7[%get3A_251] {strides = array<i32>} : memref<51200xf32, #tpu.memory_space<vmem>>, vector<16xf32>,
      %get3A_253 = vector.shape_cast %get3A_252 : vector<16xf32> to vector<16xf32>
      %add3A_254 = arith.constant 10240 : i32
      %add3A_255 = arith.addi %add3A_254, %mul3A_154 : i32
      %get3A_256 = arith.index_cast %add3A_255 : i32 to index
      %get3A_257 = tpu.vector_load %arg7[%get3A_256] {strides = array<i32>} : memref<51200xf32, #tpu.memory_space<vmem>>, vector<16xf32>,
      %get3A_258 = vector.shape_cast %get3A_257 : vector<16xf32> to vector<16xf32>
      %add3A_259 = arith.constant 10752 : i32
      %add3A_260 = arith.addi %add3A_259, %mul3A_154 : i32
      %get3A_261 = arith.index_cast %add3A_260 : i32 to index
      %get3A_262 = tpu.vector_load %arg7[%get3A_261] {strides = array<i32>} : memref<51200xf32, #tpu.memory_space<vmem>>, vector<16xf32>,
      %get3A_263 = vector.shape_cast %get3A_262 : vector<16xf32> to vector<16xf32>
      %add3A_264 = arith.constant 11264 : i32
      %add3A_265 = arith.addi %add3A_264, %mul3A_154 : i32
      %get3A_266 = arith.index_cast %add3A_265 : i32 to index
      %get3A_267 = tpu.vector_load %arg7[%get3A_266] {strides = array<i32>} : memref<51200xf32, #tpu.memory_space<vmem>>, vector<16xf32>,
      %get3A_268 = vector.shape_cast %get3A_267 : vector<16xf32> to vector<16xf32>
      %add3A_269 = arith.constant 11776 : i32
      %add3A_270 = arith.addi %add3A_269, %mul3A_154 : i32
      %get3A_271 = arith.index_cast %add3A_270 : i32 to index
      %get3A_272 = tpu.vector_load %arg7[%get3A_271] {strides = array<i32>} : memref<51200xf32, #tpu.memory_space<vmem>>, vector<16xf32>,
      %get3A_273 = vector.shape_cast %get3A_272 : vector<16xf32> to vector<16xf32>
      %add3A_274 = arith.constant 12288 : i32
      %add3A_275 = arith.addi %add3A_274, %mul3A_154 : i32
      %get3A_276 = arith.index_cast %add3A_275 : i32 to index
      %get3A_277 = tpu.vector_load %arg7[%get3A_276] {strides = array<i32>} : memref<51200xf32, #tpu.memory_space<vmem>>, vector<16xf32>,
      %get3A_278 = vector.shape_cast %get3A_277 : vector<16xf32> to vector<16xf32>
      %get3A_279 = arith.constant 0 : index
      %get3A_280 = tpu.vector_load %arg9[%get3A_279] {strides = array<i32>} : memref<16xf32, #tpu.memory_space<vmem>>, vector<16xf32>,
      %get3A_281 = vector.shape_cast %get3A_280 : vector<16xf32> to vector<16xf32>
      %add3A_282 = arith.addf %get3A_158, %get3A_163 : vector<16xf32>
      %add3A_283 = arith.addf %get3A_168, %get3A_173 : vector<16xf32>
      %add3A_284 = arith.addf %get3A_178, %get3A_183 : vector<16xf32>
      %add3A_285 = arith.addf %get3A_188, %get3A_193 : vector<16xf32>
      %add3A_286 = arith.addf %get3A_198, %get3A_203 : vector<16xf32>
      %add3A_287 = arith.addf %get3A_208, %get3A_213 : vector<16xf32>
      %add3A_288 = arith.addf %get3A_218, %get3A_223 : vector<16xf32>
      %add3A_289 = arith.addf %get3A_228, %get3A_233 : vector<16xf32>
      %add3A_290 = arith.addf %get3A_238, %get3A_243 : vector<16xf32>
      %add3A_291 = arith.addf %get3A_248, %get3A_253 : vector<16xf32>
      %add3A_292 = arith.addf %get3A_258, %get3A_263 : vector<16xf32>
      %add3A_293 = arith.addf %get3A_268, %get3A_273 : vector<16xf32>
      %add3A_294 = arith.addf %get3A_278, %get3A_281 : vector<16xf32>
      %add3A_295 = arith.addf %add3A_282, %add3A_283 : vector<16xf32>
      %add3A_296 = arith.addf %add3A_284, %add3A_285 : vector<16xf32>
      %add3A_297 = arith.addf %add3A_286, %add3A_287 : vector<16xf32>
      %add3A_298 = arith.addf %add3A_288, %add3A_289 : vector<16xf32>
      %add3A_299 = arith.addf %add3A_290, %add3A_291 : vector<16xf32>
      %add3A_300 = arith.addf %add3A_292, %add3A_293 : vector<16xf32>
      %add3A_301 = arith.addf %add3A_295, %add3A_296 : vector<16xf32>
      %add3A_302 = arith.addf %add3A_297, %add3A_298 : vector<16xf32>
      %add3A_303 = arith.addf %add3A_299, %add3A_300 : vector<16xf32>
      %add3A_304 = arith.addf %add3A_301, %add3A_302 : vector<16xf32>
      %add3A_305 = arith.addf %add3A_303, %add3A_294 : vector<16xf32>
      %add3A_306 = arith.addf %add3A_304, %add3A_305 : vector<16xf32>
      %swap3A = arith.index_cast %mul3A_154 : i32 to index
      %swap3A_307 = tpu.vector_load %arg8[%swap3A] {strides = array<i32>} : memref<512xf32, #tpu.memory_space<vmem>>, vector<16xf32>,
      %swap3A_308 = vector.shape_cast %swap3A_307 : vector<16xf32> to vector<16xf32>
      %swap3A_309 = vector.shape_cast %add3A_306 : vector<16xf32> to vector<16xf32>
      tpu.vector_store %arg8[%swap3A], %swap3A_309 {strides = array<i32>} : memref<512xf32, #tpu.memory_space<vmem>>, vector<16xf32>,
    }
    %scan3A_65 = arith.constant 32 : i32
    %scan3A_66 = arith.constant 0 : i32
    %scan3A_67 = arith.constant 0 : i32
    %scan3A_68 = arith.constant 25 : i32
    %scan3A_69 = arith.addi %scan3A_67, %scan3A_68 : i32
    %scan3A_70 = arith.constant 1 : i32
    scf.for %scan3A_152 = %scan3A_67 to %scan3A_69 step %scan3A_70  : i32 {
      %dma_wait3A_153 = arith.constant 0 : i32
      %dma_wait3A_154 = arith.constant 0 : i32
      %dma_wait3A_155 = tpu.memref_slice %arg6[%dma_wait3A_154] : memref<51200xi32, #tpu.memory_space<vmem>> -> memref<512xi32, #tpu.memory_space<vmem>>
      %dma_wait3A_156 = tpu.memref_slice %arg2[%dma_wait3A_153, %mul3A_2] : memref<100x16384xi32, #tpu.memory_space<hbm>> -> memref<1x512xi32, #tpu.memory_space<hbm>>
      %dma_wait3A_157 = tpu.memref_squeeze %dma_wait3A_156 : memref<1x512xi32, #tpu.memory_space<hbm>> -> memref<512xi32, #tpu.memory_space<hbm>>
      %dma_wait3A_158 = arith.constant 0 : i32
      %dma_wait3A_159 = tpu.memref_slice %arg6[%dma_wait3A_158] : memref<51200xi32, #tpu.memory_space<vmem>> -> memref<512xi32, #tpu.memory_space<vmem>>
      %dma_wait3A_160 = tpu.memref_slice %arg2[%dma_wait3A_153, %mul3A_2] : memref<100x16384xi32, #tpu.memory_space<hbm>> -> memref<1x512xi32, #tpu.memory_space<hbm>>
      %dma_wait3A_161 = tpu.memref_squeeze %dma_wait3A_160 : memref<1x512xi32, #tpu.memory_space<hbm>> -> memref<512xi32, #tpu.memory_space<hbm>>
      tpu.wait_dma2 semaphore(%arg10 : memref<!tpu.dma_semaphore, #tpu.memory_space<semaphore_mem>>) src(%dma_wait3A_161 : memref<512xi32, #tpu.memory_space<hbm>>) dst(%dma_wait3A_159 : memref<512xi32, #tpu.memory_space<vmem>>)
    }
    %scan3A_71 = arith.constant 25 : i32
    %dma_start3A_72 = arith.constant 0 : i32
    %dma_start3A_73 = arith.constant 25600 : i32
    %dma_start3A_74 = tpu.memref_slice %arg7[%dma_start3A_73] : memref<51200xf32, #tpu.memory_space<vmem>> -> memref<12800xf32, #tpu.memory_space<vmem>>
    %dma_start3A_75 = arith.constant 25600 : i32
    %dma_start3A_76 = tpu.memref_slice %arg6[%dma_start3A_75] : memref<51200xi32, #tpu.memory_space<vmem>> -> memref<12800xi32, #tpu.memory_space<vmem>>
    %dma_start3A_77 = arith.constant 0 : i32
    %dma_start3A_78 = tpu.memref_slice %arg3[%dma_start3A_72, %dma_start3A_77] : memref<1x1000001xf32, #tpu.memory_space<hbm>> -> memref<1x1000001xf32, #tpu.memory_space<hbm>>
    %dma_start3A_79 = tpu.memref_squeeze %dma_start3A_78 : memref<1x1000001xf32, #tpu.memory_space<hbm>> -> memref<1000001xf32, #tpu.memory_space<hbm>>
    %dma_start3A_80 = arith.constant 0 : i32
    %dma_start3A_81 = tpu.memref_slice %dma_start3A_79[%dma_start3A_80] : memref<1000001xf32, #tpu.memory_space<hbm>> -> memref<1000001xf32, #tpu.memory_space<hbm>>
    tpu.enqueue_indirect_dma source(%dma_start3A_81 : memref<1000001xf32, #tpu.memory_space<hbm>>) target(%dma_start3A_74 : memref<12800xf32, #tpu.memory_space<vmem>>) offsets(%dma_start3A_76 : memref<12800xi32, #tpu.memory_space<vmem>>) semaphore(%arg11 : memref<!tpu.dma_semaphore, #tpu.memory_space<semaphore_mem>>)
    %scan3A_82 = arith.constant 0 : i32
    %scan3A_83 = arith.constant 75 : i32
    %scan3A_84 = arith.constant 25 : i32
    %scan3A_85 = arith.addi %scan3A_83, %scan3A_84 : i32
    %scan3A_86 = arith.constant 1 : i32
    scf.for %scan3A_152 = %scan3A_83 to %scan3A_85 step %scan3A_86  : i32 {
      %mul3A_153 = arith.constant 512 : i32
      %mul3A_154 = arith.muli %scan3A_152, %mul3A_153 : i32
      %dma_start3A_155 = tpu.memref_slice %arg6[%mul3A_154] : memref<51200xi32, #tpu.memory_space<vmem>> -> memref<512xi32, #tpu.memory_space<vmem>>
      %dma_start3A_156 = tpu.memref_slice %arg2[%scan3A_152, %mul3A_2] : memref<100x16384xi32, #tpu.memory_space<hbm>> -> memref<1x512xi32, #tpu.memory_space<hbm>>
      %dma_start3A_157 = tpu.memref_squeeze %dma_start3A_156 : memref<1x512xi32, #tpu.memory_space<hbm>> -> memref<512xi32, #tpu.memory_space<hbm>>
      %dma_start3A_158 = tpu.memref_slice %arg6[%mul3A_154] : memref<51200xi32, #tpu.memory_space<vmem>> -> memref<512xi32, #tpu.memory_space<vmem>>
      %dma_start3A_159 = tpu.memref_slice %arg2[%scan3A_152, %mul3A_2] : memref<100x16384xi32, #tpu.memory_space<hbm>> -> memref<1x512xi32, #tpu.memory_space<hbm>>
      %dma_start3A_160 = tpu.memref_squeeze %dma_start3A_159 : memref<1x512xi32, #tpu.memory_space<hbm>> -> memref<512xi32, #tpu.memory_space<hbm>>
      tpu.enqueue_dma source(%dma_start3A_160 : memref<512xi32, #tpu.memory_space<hbm>>) target(%dma_start3A_158 : memref<512xi32, #tpu.memory_space<vmem>>) target_semaphore(%arg10 : memref<!tpu.dma_semaphore, #tpu.memory_space<semaphore_mem>>)
    }
    %scan3A_87 = arith.constant 25 : i32
    %dma_wait3A_88 = arith.constant 0 : i32
    %dma_wait3A_89 = arith.constant 12800 : i32
    %dma_wait3A_90 = tpu.memref_slice %arg7[%dma_wait3A_89] : memref<51200xf32, #tpu.memory_space<vmem>> -> memref<12800xf32, #tpu.memory_space<vmem>>
    %dma_wait3A_91 = arith.constant 12800 : i32
    %dma_wait3A_92 = tpu.memref_slice %arg6[%dma_wait3A_91] : memref<51200xi32, #tpu.memory_space<vmem>> -> memref<12800xi32, #tpu.memory_space<vmem>>
    %dma_wait3A_93 = arith.constant 0 : i32
    %dma_wait3A_94 = tpu.memref_slice %arg3[%dma_wait3A_88, %dma_wait3A_93] : memref<1x1000001xf32, #tpu.memory_space<hbm>> -> memref<1x1000001xf32, #tpu.memory_space<hbm>>
    %dma_wait3A_95 = tpu.memref_squeeze %dma_wait3A_94 : memref<1x1000001xf32, #tpu.memory_space<hbm>> -> memref<1000001xf32, #tpu.memory_space<hbm>>
    %dma_wait3A_96 = arith.constant 0 : i32
    %dma_wait3A_97 = tpu.memref_slice %dma_wait3A_95[%dma_wait3A_96] : memref<1000001xf32, #tpu.memory_space<hbm>> -> memref<1000001xf32, #tpu.memory_space<hbm>>
    tpu.wait_indirect_dma semaphore(%arg12 : memref<!tpu.dma_semaphore, #tpu.memory_space<semaphore_mem>>) src(%dma_wait3A_97 : memref<1000001xf32, #tpu.memory_space<hbm>>) dst(%dma_wait3A_90 : memref<12800xf32, #tpu.memory_space<vmem>>)
    %scan3A_98 = arith.constant 0 : i32
    %scan3A_99 = arith.constant 0 : i32
    %scan3A_100 = arith.constant 32 : i32
    %scan3A_101 = arith.addi %scan3A_99, %scan3A_100 : i32
    %scan3A_102 = arith.constant 1 : i32
    scf.for %scan3A_152 = %scan3A_99 to %scan3A_101 step %scan3A_102  : i32 {
      %mul3A_153 = arith.constant 16 : i32
      %mul3A_154 = arith.muli %scan3A_152, %mul3A_153 : i32
      %add3A_155 = arith.constant 12800 : i32
      %add3A_156 = arith.addi %add3A_155, %mul3A_154 : i32
      %get3A = arith.index_cast %add3A_156 : i32 to index
      %get3A_157 = tpu.vector_load %arg7[%get3A] {strides = array<i32>} : memref<51200xf32, #tpu.memory_space<vmem>>, vector<16xf32>,
      %get3A_158 = vector.shape_cast %get3A_157 : vector<16xf32> to vector<16xf32>
      %add3A_159 = arith.constant 13312 : i32
      %add3A_160 = arith.addi %add3A_159, %mul3A_154 : i32
      %get3A_161 = arith.index_cast %add3A_160 : i32 to index
      %get3A_162 = tpu.vector_load %arg7[%get3A_161] {strides = array<i32>} : memref<51200xf32, #tpu.memory_space<vmem>>, vector<16xf32>,
      %get3A_163 = vector.shape_cast %get3A_162 : vector<16xf32> to vector<16xf32>
      %add3A_164 = arith.constant 13824 : i32
      %add3A_165 = arith.addi %add3A_164, %mul3A_154 : i32
      %get3A_166 = arith.index_cast %add3A_165 : i32 to index
      %get3A_167 = tpu.vector_load %arg7[%get3A_166] {strides = array<i32>} : memref<51200xf32, #tpu.memory_space<vmem>>, vector<16xf32>,
      %get3A_168 = vector.shape_cast %get3A_167 : vector<16xf32> to vector<16xf32>
      %add3A_169 = arith.constant 14336 : i32
      %add3A_170 = arith.addi %add3A_169, %mul3A_154 : i32
      %get3A_171 = arith.index_cast %add3A_170 : i32 to index
      %get3A_172 = tpu.vector_load %arg7[%get3A_171] {strides = array<i32>} : memref<51200xf32, #tpu.memory_space<vmem>>, vector<16xf32>,
      %get3A_173 = vector.shape_cast %get3A_172 : vector<16xf32> to vector<16xf32>
      %add3A_174 = arith.constant 14848 : i32
      %add3A_175 = arith.addi %add3A_174, %mul3A_154 : i32
      %get3A_176 = arith.index_cast %add3A_175 : i32 to index
      %get3A_177 = tpu.vector_load %arg7[%get3A_176] {strides = array<i32>} : memref<51200xf32, #tpu.memory_space<vmem>>, vector<16xf32>,
      %get3A_178 = vector.shape_cast %get3A_177 : vector<16xf32> to vector<16xf32>
      %add3A_179 = arith.constant 15360 : i32
      %add3A_180 = arith.addi %add3A_179, %mul3A_154 : i32
      %get3A_181 = arith.index_cast %add3A_180 : i32 to index
      %get3A_182 = tpu.vector_load %arg7[%get3A_181] {strides = array<i32>} : memref<51200xf32, #tpu.memory_space<vmem>>, vector<16xf32>,
      %get3A_183 = vector.shape_cast %get3A_182 : vector<16xf32> to vector<16xf32>
      %add3A_184 = arith.constant 15872 : i32
      %add3A_185 = arith.addi %add3A_184, %mul3A_154 : i32
      %get3A_186 = arith.index_cast %add3A_185 : i32 to index
      %get3A_187 = tpu.vector_load %arg7[%get3A_186] {strides = array<i32>} : memref<51200xf32, #tpu.memory_space<vmem>>, vector<16xf32>,
      %get3A_188 = vector.shape_cast %get3A_187 : vector<16xf32> to vector<16xf32>
      %add3A_189 = arith.constant 16384 : i32
      %add3A_190 = arith.addi %add3A_189, %mul3A_154 : i32
      %get3A_191 = arith.index_cast %add3A_190 : i32 to index
      %get3A_192 = tpu.vector_load %arg7[%get3A_191] {strides = array<i32>} : memref<51200xf32, #tpu.memory_space<vmem>>, vector<16xf32>,
      %get3A_193 = vector.shape_cast %get3A_192 : vector<16xf32> to vector<16xf32>
      %add3A_194 = arith.constant 16896 : i32
      %add3A_195 = arith.addi %add3A_194, %mul3A_154 : i32
      %get3A_196 = arith.index_cast %add3A_195 : i32 to index
      %get3A_197 = tpu.vector_load %arg7[%get3A_196] {strides = array<i32>} : memref<51200xf32, #tpu.memory_space<vmem>>, vector<16xf32>,
      %get3A_198 = vector.shape_cast %get3A_197 : vector<16xf32> to vector<16xf32>
      %add3A_199 = arith.constant 17408 : i32
      %add3A_200 = arith.addi %add3A_199, %mul3A_154 : i32
      %get3A_201 = arith.index_cast %add3A_200 : i32 to index
      %get3A_202 = tpu.vector_load %arg7[%get3A_201] {strides = array<i32>} : memref<51200xf32, #tpu.memory_space<vmem>>, vector<16xf32>,
      %get3A_203 = vector.shape_cast %get3A_202 : vector<16xf32> to vector<16xf32>
      %add3A_204 = arith.constant 17920 : i32
      %add3A_205 = arith.addi %add3A_204, %mul3A_154 : i32
      %get3A_206 = arith.index_cast %add3A_205 : i32 to index
      %get3A_207 = tpu.vector_load %arg7[%get3A_206] {strides = array<i32>} : memref<51200xf32, #tpu.memory_space<vmem>>, vector<16xf32>,
      %get3A_208 = vector.shape_cast %get3A_207 : vector<16xf32> to vector<16xf32>
      %add3A_209 = arith.constant 18432 : i32
      %add3A_210 = arith.addi %add3A_209, %mul3A_154 : i32
      %get3A_211 = arith.index_cast %add3A_210 : i32 to index
      %get3A_212 = tpu.vector_load %arg7[%get3A_211] {strides = array<i32>} : memref<51200xf32, #tpu.memory_space<vmem>>, vector<16xf32>,
      %get3A_213 = vector.shape_cast %get3A_212 : vector<16xf32> to vector<16xf32>
      %add3A_214 = arith.constant 18944 : i32
      %add3A_215 = arith.addi %add3A_214, %mul3A_154 : i32
      %get3A_216 = arith.index_cast %add3A_215 : i32 to index
      %get3A_217 = tpu.vector_load %arg7[%get3A_216] {strides = array<i32>} : memref<51200xf32, #tpu.memory_space<vmem>>, vector<16xf32>,
      %get3A_218 = vector.shape_cast %get3A_217 : vector<16xf32> to vector<16xf32>
      %add3A_219 = arith.constant 19456 : i32
      %add3A_220 = arith.addi %add3A_219, %mul3A_154 : i32
      %get3A_221 = arith.index_cast %add3A_220 : i32 to index
      %get3A_222 = tpu.vector_load %arg7[%get3A_221] {strides = array<i32>} : memref<51200xf32, #tpu.memory_space<vmem>>, vector<16xf32>,
      %get3A_223 = vector.shape_cast %get3A_222 : vector<16xf32> to vector<16xf32>
      %add3A_224 = arith.constant 19968 : i32
      %add3A_225 = arith.addi %add3A_224, %mul3A_154 : i32
      %get3A_226 = arith.index_cast %add3A_225 : i32 to index
      %get3A_227 = tpu.vector_load %arg7[%get3A_226] {strides = array<i32>} : memref<51200xf32, #tpu.memory_space<vmem>>, vector<16xf32>,
      %get3A_228 = vector.shape_cast %get3A_227 : vector<16xf32> to vector<16xf32>
      %add3A_229 = arith.constant 20480 : i32
      %add3A_230 = arith.addi %add3A_229, %mul3A_154 : i32
      %get3A_231 = arith.index_cast %add3A_230 : i32 to index
      %get3A_232 = tpu.vector_load %arg7[%get3A_231] {strides = array<i32>} : memref<51200xf32, #tpu.memory_space<vmem>>, vector<16xf32>,
      %get3A_233 = vector.shape_cast %get3A_232 : vector<16xf32> to vector<16xf32>
      %add3A_234 = arith.constant 20992 : i32
      %add3A_235 = arith.addi %add3A_234, %mul3A_154 : i32
      %get3A_236 = arith.index_cast %add3A_235 : i32 to index
      %get3A_237 = tpu.vector_load %arg7[%get3A_236] {strides = array<i32>} : memref<51200xf32, #tpu.memory_space<vmem>>, vector<16xf32>,
      %get3A_238 = vector.shape_cast %get3A_237 : vector<16xf32> to vector<16xf32>
      %add3A_239 = arith.constant 21504 : i32
      %add3A_240 = arith.addi %add3A_239, %mul3A_154 : i32
      %get3A_241 = arith.index_cast %add3A_240 : i32 to index
      %get3A_242 = tpu.vector_load %arg7[%get3A_241] {strides = array<i32>} : memref<51200xf32, #tpu.memory_space<vmem>>, vector<16xf32>,
      %get3A_243 = vector.shape_cast %get3A_242 : vector<16xf32> to vector<16xf32>
      %add3A_244 = arith.constant 22016 : i32
      %add3A_245 = arith.addi %add3A_244, %mul3A_154 : i32
      %get3A_246 = arith.index_cast %add3A_245 : i32 to index
      %get3A_247 = tpu.vector_load %arg7[%get3A_246] {strides = array<i32>} : memref<51200xf32, #tpu.memory_space<vmem>>, vector<16xf32>,
      %get3A_248 = vector.shape_cast %get3A_247 : vector<16xf32> to vector<16xf32>
      %add3A_249 = arith.constant 22528 : i32
      %add3A_250 = arith.addi %add3A_249, %mul3A_154 : i32
      %get3A_251 = arith.index_cast %add3A_250 : i32 to index
      %get3A_252 = tpu.vector_load %arg7[%get3A_251] {strides = array<i32>} : memref<51200xf32, #tpu.memory_space<vmem>>, vector<16xf32>,
      %get3A_253 = vector.shape_cast %get3A_252 : vector<16xf32> to vector<16xf32>
      %add3A_254 = arith.constant 23040 : i32
      %add3A_255 = arith.addi %add3A_254, %mul3A_154 : i32
      %get3A_256 = arith.index_cast %add3A_255 : i32 to index
      %get3A_257 = tpu.vector_load %arg7[%get3A_256] {strides = array<i32>} : memref<51200xf32, #tpu.memory_space<vmem>>, vector<16xf32>,
      %get3A_258 = vector.shape_cast %get3A_257 : vector<16xf32> to vector<16xf32>
      %add3A_259 = arith.constant 23552 : i32
      %add3A_260 = arith.addi %add3A_259, %mul3A_154 : i32
      %get3A_261 = arith.index_cast %add3A_260 : i32 to index
      %get3A_262 = tpu.vector_load %arg7[%get3A_261] {strides = array<i32>} : memref<51200xf32, #tpu.memory_space<vmem>>, vector<16xf32>,
      %get3A_263 = vector.shape_cast %get3A_262 : vector<16xf32> to vector<16xf32>
      %add3A_264 = arith.constant 24064 : i32
      %add3A_265 = arith.addi %add3A_264, %mul3A_154 : i32
      %get3A_266 = arith.index_cast %add3A_265 : i32 to index
      %get3A_267 = tpu.vector_load %arg7[%get3A_266] {strides = array<i32>} : memref<51200xf32, #tpu.memory_space<vmem>>, vector<16xf32>,
      %get3A_268 = vector.shape_cast %get3A_267 : vector<16xf32> to vector<16xf32>
      %add3A_269 = arith.constant 24576 : i32
      %add3A_270 = arith.addi %add3A_269, %mul3A_154 : i32
      %get3A_271 = arith.index_cast %add3A_270 : i32 to index
      %get3A_272 = tpu.vector_load %arg7[%get3A_271] {strides = array<i32>} : memref<51200xf32, #tpu.memory_space<vmem>>, vector<16xf32>,
      %get3A_273 = vector.shape_cast %get3A_272 : vector<16xf32> to vector<16xf32>
      %add3A_274 = arith.constant 25088 : i32
      %add3A_275 = arith.addi %add3A_274, %mul3A_154 : i32
      %get3A_276 = arith.index_cast %add3A_275 : i32 to index
      %get3A_277 = tpu.vector_load %arg7[%get3A_276] {strides = array<i32>} : memref<51200xf32, #tpu.memory_space<vmem>>, vector<16xf32>,
      %get3A_278 = vector.shape_cast %get3A_277 : vector<16xf32> to vector<16xf32>
      %get3A_279 = arith.index_cast %mul3A_154 : i32 to index
      %get3A_280 = tpu.vector_load %arg8[%get3A_279] {strides = array<i32>} : memref<512xf32, #tpu.memory_space<vmem>>, vector<16xf32>,
      %get3A_281 = vector.shape_cast %get3A_280 : vector<16xf32> to vector<16xf32>
      %add3A_282 = arith.addf %get3A_158, %get3A_163 : vector<16xf32>
      %add3A_283 = arith.addf %get3A_168, %get3A_173 : vector<16xf32>
      %add3A_284 = arith.addf %get3A_178, %get3A_183 : vector<16xf32>
      %add3A_285 = arith.addf %get3A_188, %get3A_193 : vector<16xf32>
      %add3A_286 = arith.addf %get3A_198, %get3A_203 : vector<16xf32>
      %add3A_287 = arith.addf %get3A_208, %get3A_213 : vector<16xf32>
      %add3A_288 = arith.addf %get3A_218, %get3A_223 : vector<16xf32>
      %add3A_289 = arith.addf %get3A_228, %get3A_233 : vector<16xf32>
      %add3A_290 = arith.addf %get3A_238, %get3A_243 : vector<16xf32>
      %add3A_291 = arith.addf %get3A_248, %get3A_253 : vector<16xf32>
      %add3A_292 = arith.addf %get3A_258, %get3A_263 : vector<16xf32>
      %add3A_293 = arith.addf %get3A_268, %get3A_273 : vector<16xf32>
      %add3A_294 = arith.addf %get3A_278, %get3A_281 : vector<16xf32>
      %add3A_295 = arith.addf %add3A_282, %add3A_283 : vector<16xf32>
      %add3A_296 = arith.addf %add3A_284, %add3A_285 : vector<16xf32>
      %add3A_297 = arith.addf %add3A_286, %add3A_287 : vector<16xf32>
      %add3A_298 = arith.addf %add3A_288, %add3A_289 : vector<16xf32>
      %add3A_299 = arith.addf %add3A_290, %add3A_291 : vector<16xf32>
      %add3A_300 = arith.addf %add3A_292, %add3A_293 : vector<16xf32>
      %add3A_301 = arith.addf %add3A_295, %add3A_296 : vector<16xf32>
      %add3A_302 = arith.addf %add3A_297, %add3A_298 : vector<16xf32>
      %add3A_303 = arith.addf %add3A_299, %add3A_300 : vector<16xf32>
      %add3A_304 = arith.addf %add3A_301, %add3A_302 : vector<16xf32>
      %add3A_305 = arith.addf %add3A_303, %add3A_294 : vector<16xf32>
      %add3A_306 = arith.addf %add3A_304, %add3A_305 : vector<16xf32>
      %swap3A = arith.index_cast %mul3A_154 : i32 to index
      %swap3A_307 = tpu.vector_load %arg8[%swap3A] {strides = array<i32>} : memref<512xf32, #tpu.memory_space<vmem>>, vector<16xf32>,
      %swap3A_308 = vector.shape_cast %swap3A_307 : vector<16xf32> to vector<16xf32>
      %swap3A_309 = vector.shape_cast %add3A_306 : vector<16xf32> to vector<16xf32>
      tpu.vector_store %arg8[%swap3A], %swap3A_309 {strides = array<i32>} : memref<512xf32, #tpu.memory_space<vmem>>, vector<16xf32>,
    }
    %scan3A_103 = arith.constant 32 : i32
    %scan3A_104 = arith.constant 0 : i32
    %scan3A_105 = arith.constant 0 : i32
    %scan3A_106 = arith.constant 25 : i32
    %scan3A_107 = arith.addi %scan3A_105, %scan3A_106 : i32
    %scan3A_108 = arith.constant 1 : i32
    scf.for %scan3A_152 = %scan3A_105 to %scan3A_107 step %scan3A_108  : i32 {
      %dma_wait3A_153 = arith.constant 0 : i32
      %dma_wait3A_154 = arith.constant 0 : i32
      %dma_wait3A_155 = tpu.memref_slice %arg6[%dma_wait3A_154] : memref<51200xi32, #tpu.memory_space<vmem>> -> memref<512xi32, #tpu.memory_space<vmem>>
      %dma_wait3A_156 = tpu.memref_slice %arg2[%dma_wait3A_153, %mul3A_2] : memref<100x16384xi32, #tpu.memory_space<hbm>> -> memref<1x512xi32, #tpu.memory_space<hbm>>
      %dma_wait3A_157 = tpu.memref_squeeze %dma_wait3A_156 : memref<1x512xi32, #tpu.memory_space<hbm>> -> memref<512xi32, #tpu.memory_space<hbm>>
      %dma_wait3A_158 = arith.constant 0 : i32
      %dma_wait3A_159 = tpu.memref_slice %arg6[%dma_wait3A_158] : memref<51200xi32, #tpu.memory_space<vmem>> -> memref<512xi32, #tpu.memory_space<vmem>>
      %dma_wait3A_160 = tpu.memref_slice %arg2[%dma_wait3A_153, %mul3A_2] : memref<100x16384xi32, #tpu.memory_space<hbm>> -> memref<1x512xi32, #tpu.memory_space<hbm>>
      %dma_wait3A_161 = tpu.memref_squeeze %dma_wait3A_160 : memref<1x512xi32, #tpu.memory_space<hbm>> -> memref<512xi32, #tpu.memory_space<hbm>>
      tpu.wait_dma2 semaphore(%arg10 : memref<!tpu.dma_semaphore, #tpu.memory_space<semaphore_mem>>) src(%dma_wait3A_161 : memref<512xi32, #tpu.memory_space<hbm>>) dst(%dma_wait3A_159 : memref<512xi32, #tpu.memory_space<vmem>>)
    }
    %scan3A_109 = arith.constant 25 : i32
    %dma_start3A_110 = arith.constant 0 : i32
    %dma_start3A_111 = arith.constant 38400 : i32
    %dma_start3A_112 = tpu.memref_slice %arg7[%dma_start3A_111] : memref<51200xf32, #tpu.memory_space<vmem>> -> memref<12800xf32, #tpu.memory_space<vmem>>
    %dma_start3A_113 = arith.constant 38400 : i32
    %dma_start3A_114 = tpu.memref_slice %arg6[%dma_start3A_113] : memref<51200xi32, #tpu.memory_space<vmem>> -> memref<12800xi32, #tpu.memory_space<vmem>>
    %dma_start3A_115 = arith.constant 0 : i32
    %dma_start3A_116 = tpu.memref_slice %arg3[%dma_start3A_110, %dma_start3A_115] : memref<1x1000001xf32, #tpu.memory_space<hbm>> -> memref<1x1000001xf32, #tpu.memory_space<hbm>>
    %dma_start3A_117 = tpu.memref_squeeze %dma_start3A_116 : memref<1x1000001xf32, #tpu.memory_space<hbm>> -> memref<1000001xf32, #tpu.memory_space<hbm>>
    %dma_start3A_118 = arith.constant 0 : i32
    %dma_start3A_119 = tpu.memref_slice %dma_start3A_117[%dma_start3A_118] : memref<1000001xf32, #tpu.memory_space<hbm>> -> memref<1000001xf32, #tpu.memory_space<hbm>>
    tpu.enqueue_indirect_dma source(%dma_start3A_119 : memref<1000001xf32, #tpu.memory_space<hbm>>) target(%dma_start3A_112 : memref<12800xf32, #tpu.memory_space<vmem>>) offsets(%dma_start3A_114 : memref<12800xi32, #tpu.memory_space<vmem>>) semaphore(%arg12 : memref<!tpu.dma_semaphore, #tpu.memory_space<semaphore_mem>>)
    %dma_wait3A_120 = arith.constant 0 : i32
    %dma_wait3A_121 = arith.constant 25600 : i32
    %dma_wait3A_122 = tpu.memref_slice %arg7[%dma_wait3A_121] : memref<51200xf32, #tpu.memory_space<vmem>> -> memref<12800xf32, #tpu.memory_space<vmem>>
    %dma_wait3A_123 = arith.constant 25600 : i32
    %dma_wait3A_124 = tpu.memref_slice %arg6[%dma_wait3A_123] : memref<51200xi32, #tpu.memory_space<vmem>> -> memref<12800xi32, #tpu.memory_space<vmem>>
    %dma_wait3A_125 = arith.constant 0 : i32
    %dma_wait3A_126 = tpu.memref_slice %arg3[%dma_wait3A_120, %dma_wait3A_125] : memref<1x1000001xf32, #tpu.memory_space<hbm>> -> memref<1x1000001xf32, #tpu.memory_space<hbm>>
    %dma_wait3A_127 = tpu.memref_squeeze %dma_wait3A_126 : memref<1x1000001xf32, #tpu.memory_space<hbm>> -> memref<1000001xf32, #tpu.memory_space<hbm>>
    %dma_wait3A_128 = arith.constant 0 : i32
    %dma_wait3A_129 = tpu.memref_slice %dma_wait3A_127[%dma_wait3A_128] : memref<1000001xf32, #tpu.memory_space<hbm>> -> memref<1000001xf32, #tpu.memory_space<hbm>>
    tpu.wait_indirect_dma semaphore(%arg11 : memref<!tpu.dma_semaphore, #tpu.memory_space<semaphore_mem>>) src(%dma_wait3A_129 : memref<1000001xf32, #tpu.memory_space<hbm>>) dst(%dma_wait3A_122 : memref<12800xf32, #tpu.memory_space<vmem>>)
    %scan3A_130 = arith.constant 0 : i32
    %scan3A_131 = arith.constant 0 : i32
    %scan3A_132 = arith.constant 32 : i32
    %scan3A_133 = arith.addi %scan3A_131, %scan3A_132 : i32
    %scan3A_134 = arith.constant 1 : i32
    scf.for %scan3A_152 = %scan3A_131 to %scan3A_133 step %scan3A_134  : i32 {
      %mul3A_153 = arith.constant 16 : i32
      %mul3A_154 = arith.muli %scan3A_152, %mul3A_153 : i32
      %add3A_155 = arith.constant 25600 : i32
      %add3A_156 = arith.addi %add3A_155, %mul3A_154 : i32
      %get3A = arith.index_cast %add3A_156 : i32 to index
      %get3A_157 = tpu.vector_load %arg7[%get3A] {strides = array<i32>} : memref<51200xf32, #tpu.memory_space<vmem>>, vector<16xf32>,
      %get3A_158 = vector.shape_cast %get3A_157 : vector<16xf32> to vector<16xf32>
      %add3A_159 = arith.constant 26112 : i32
      %add3A_160 = arith.addi %add3A_159, %mul3A_154 : i32
      %get3A_161 = arith.index_cast %add3A_160 : i32 to index
      %get3A_162 = tpu.vector_load %arg7[%get3A_161] {strides = array<i32>} : memref<51200xf32, #tpu.memory_space<vmem>>, vector<16xf32>,
      %get3A_163 = vector.shape_cast %get3A_162 : vector<16xf32> to vector<16xf32>
      %add3A_164 = arith.constant 26624 : i32
      %add3A_165 = arith.addi %add3A_164, %mul3A_154 : i32
      %get3A_166 = arith.index_cast %add3A_165 : i32 to index
      %get3A_167 = tpu.vector_load %arg7[%get3A_166] {strides = array<i32>} : memref<51200xf32, #tpu.memory_space<vmem>>, vector<16xf32>,
      %get3A_168 = vector.shape_cast %get3A_167 : vector<16xf32> to vector<16xf32>
      %add3A_169 = arith.constant 27136 : i32
      %add3A_170 = arith.addi %add3A_169, %mul3A_154 : i32
      %get3A_171 = arith.index_cast %add3A_170 : i32 to index
      %get3A_172 = tpu.vector_load %arg7[%get3A_171] {strides = array<i32>} : memref<51200xf32, #tpu.memory_space<vmem>>, vector<16xf32>,
      %get3A_173 = vector.shape_cast %get3A_172 : vector<16xf32> to vector<16xf32>
      %add3A_174 = arith.constant 27648 : i32
      %add3A_175 = arith.addi %add3A_174, %mul3A_154 : i32
      %get3A_176 = arith.index_cast %add3A_175 : i32 to index
      %get3A_177 = tpu.vector_load %arg7[%get3A_176] {strides = array<i32>} : memref<51200xf32, #tpu.memory_space<vmem>>, vector<16xf32>,
      %get3A_178 = vector.shape_cast %get3A_177 : vector<16xf32> to vector<16xf32>
      %add3A_179 = arith.constant 28160 : i32
      %add3A_180 = arith.addi %add3A_179, %mul3A_154 : i32
      %get3A_181 = arith.index_cast %add3A_180 : i32 to index
      %get3A_182 = tpu.vector_load %arg7[%get3A_181] {strides = array<i32>} : memref<51200xf32, #tpu.memory_space<vmem>>, vector<16xf32>,
      %get3A_183 = vector.shape_cast %get3A_182 : vector<16xf32> to vector<16xf32>
      %add3A_184 = arith.constant 28672 : i32
      %add3A_185 = arith.addi %add3A_184, %mul3A_154 : i32
      %get3A_186 = arith.index_cast %add3A_185 : i32 to index
      %get3A_187 = tpu.vector_load %arg7[%get3A_186] {strides = array<i32>} : memref<51200xf32, #tpu.memory_space<vmem>>, vector<16xf32>,
      %get3A_188 = vector.shape_cast %get3A_187 : vector<16xf32> to vector<16xf32>
      %add3A_189 = arith.constant 29184 : i32
      %add3A_190 = arith.addi %add3A_189, %mul3A_154 : i32
      %get3A_191 = arith.index_cast %add3A_190 : i32 to index
      %get3A_192 = tpu.vector_load %arg7[%get3A_191] {strides = array<i32>} : memref<51200xf32, #tpu.memory_space<vmem>>, vector<16xf32>,
      %get3A_193 = vector.shape_cast %get3A_192 : vector<16xf32> to vector<16xf32>
      %add3A_194 = arith.constant 29696 : i32
      %add3A_195 = arith.addi %add3A_194, %mul3A_154 : i32
      %get3A_196 = arith.index_cast %add3A_195 : i32 to index
      %get3A_197 = tpu.vector_load %arg7[%get3A_196] {strides = array<i32>} : memref<51200xf32, #tpu.memory_space<vmem>>, vector<16xf32>,
      %get3A_198 = vector.shape_cast %get3A_197 : vector<16xf32> to vector<16xf32>
      %add3A_199 = arith.constant 30208 : i32
      %add3A_200 = arith.addi %add3A_199, %mul3A_154 : i32
      %get3A_201 = arith.index_cast %add3A_200 : i32 to index
      %get3A_202 = tpu.vector_load %arg7[%get3A_201] {strides = array<i32>} : memref<51200xf32, #tpu.memory_space<vmem>>, vector<16xf32>,
      %get3A_203 = vector.shape_cast %get3A_202 : vector<16xf32> to vector<16xf32>
      %add3A_204 = arith.constant 30720 : i32
      %add3A_205 = arith.addi %add3A_204, %mul3A_154 : i32
      %get3A_206 = arith.index_cast %add3A_205 : i32 to index
      %get3A_207 = tpu.vector_load %arg7[%get3A_206] {strides = array<i32>} : memref<51200xf32, #tpu.memory_space<vmem>>, vector<16xf32>,
      %get3A_208 = vector.shape_cast %get3A_207 : vector<16xf32> to vector<16xf32>
      %add3A_209 = arith.constant 31232 : i32
      %add3A_210 = arith.addi %add3A_209, %mul3A_154 : i32
      %get3A_211 = arith.index_cast %add3A_210 : i32 to index
      %get3A_212 = tpu.vector_load %arg7[%get3A_211] {strides = array<i32>} : memref<51200xf32, #tpu.memory_space<vmem>>, vector<16xf32>,
      %get3A_213 = vector.shape_cast %get3A_212 : vector<16xf32> to vector<16xf32>
      %add3A_214 = arith.constant 31744 : i32
      %add3A_215 = arith.addi %add3A_214, %mul3A_154 : i32
      %get3A_216 = arith.index_cast %add3A_215 : i32 to index
      %get3A_217 = tpu.vector_load %arg7[%get3A_216] {strides = array<i32>} : memref<51200xf32, #tpu.memory_space<vmem>>, vector<16xf32>,
      %get3A_218 = vector.shape_cast %get3A_217 : vector<16xf32> to vector<16xf32>
      %add3A_219 = arith.constant 32256 : i32
      %add3A_220 = arith.addi %add3A_219, %mul3A_154 : i32
      %get3A_221 = arith.index_cast %add3A_220 : i32 to index
      %get3A_222 = tpu.vector_load %arg7[%get3A_221] {strides = array<i32>} : memref<51200xf32, #tpu.memory_space<vmem>>, vector<16xf32>,
      %get3A_223 = vector.shape_cast %get3A_222 : vector<16xf32> to vector<16xf32>
      %add3A_224 = arith.constant 32768 : i32
      %add3A_225 = arith.addi %add3A_224, %mul3A_154 : i32
      %get3A_226 = arith.index_cast %add3A_225 : i32 to index
      %get3A_227 = tpu.vector_load %arg7[%get3A_226] {strides = array<i32>} : memref<51200xf32, #tpu.memory_space<vmem>>, vector<16xf32>,
      %get3A_228 = vector.shape_cast %get3A_227 : vector<16xf32> to vector<16xf32>
      %add3A_229 = arith.constant 33280 : i32
      %add3A_230 = arith.addi %add3A_229, %mul3A_154 : i32
      %get3A_231 = arith.index_cast %add3A_230 : i32 to index
      %get3A_232 = tpu.vector_load %arg7[%get3A_231] {strides = array<i32>} : memref<51200xf32, #tpu.memory_space<vmem>>, vector<16xf32>,
      %get3A_233 = vector.shape_cast %get3A_232 : vector<16xf32> to vector<16xf32>
      %add3A_234 = arith.constant 33792 : i32
      %add3A_235 = arith.addi %add3A_234, %mul3A_154 : i32
      %get3A_236 = arith.index_cast %add3A_235 : i32 to index
      %get3A_237 = tpu.vector_load %arg7[%get3A_236] {strides = array<i32>} : memref<51200xf32, #tpu.memory_space<vmem>>, vector<16xf32>,
      %get3A_238 = vector.shape_cast %get3A_237 : vector<16xf32> to vector<16xf32>
      %add3A_239 = arith.constant 34304 : i32
      %add3A_240 = arith.addi %add3A_239, %mul3A_154 : i32
      %get3A_241 = arith.index_cast %add3A_240 : i32 to index
      %get3A_242 = tpu.vector_load %arg7[%get3A_241] {strides = array<i32>} : memref<51200xf32, #tpu.memory_space<vmem>>, vector<16xf32>,
      %get3A_243 = vector.shape_cast %get3A_242 : vector<16xf32> to vector<16xf32>
      %add3A_244 = arith.constant 34816 : i32
      %add3A_245 = arith.addi %add3A_244, %mul3A_154 : i32
      %get3A_246 = arith.index_cast %add3A_245 : i32 to index
      %get3A_247 = tpu.vector_load %arg7[%get3A_246] {strides = array<i32>} : memref<51200xf32, #tpu.memory_space<vmem>>, vector<16xf32>,
      %get3A_248 = vector.shape_cast %get3A_247 : vector<16xf32> to vector<16xf32>
      %add3A_249 = arith.constant 35328 : i32
      %add3A_250 = arith.addi %add3A_249, %mul3A_154 : i32
      %get3A_251 = arith.index_cast %add3A_250 : i32 to index
      %get3A_252 = tpu.vector_load %arg7[%get3A_251] {strides = array<i32>} : memref<51200xf32, #tpu.memory_space<vmem>>, vector<16xf32>,
      %get3A_253 = vector.shape_cast %get3A_252 : vector<16xf32> to vector<16xf32>
      %add3A_254 = arith.constant 35840 : i32
      %add3A_255 = arith.addi %add3A_254, %mul3A_154 : i32
      %get3A_256 = arith.index_cast %add3A_255 : i32 to index
      %get3A_257 = tpu.vector_load %arg7[%get3A_256] {strides = array<i32>} : memref<51200xf32, #tpu.memory_space<vmem>>, vector<16xf32>,
      %get3A_258 = vector.shape_cast %get3A_257 : vector<16xf32> to vector<16xf32>
      %add3A_259 = arith.constant 36352 : i32
      %add3A_260 = arith.addi %add3A_259, %mul3A_154 : i32
      %get3A_261 = arith.index_cast %add3A_260 : i32 to index
      %get3A_262 = tpu.vector_load %arg7[%get3A_261] {strides = array<i32>} : memref<51200xf32, #tpu.memory_space<vmem>>, vector<16xf32>,
      %get3A_263 = vector.shape_cast %get3A_262 : vector<16xf32> to vector<16xf32>
      %add3A_264 = arith.constant 36864 : i32
      %add3A_265 = arith.addi %add3A_264, %mul3A_154 : i32
      %get3A_266 = arith.index_cast %add3A_265 : i32 to index
      %get3A_267 = tpu.vector_load %arg7[%get3A_266] {strides = array<i32>} : memref<51200xf32, #tpu.memory_space<vmem>>, vector<16xf32>,
      %get3A_268 = vector.shape_cast %get3A_267 : vector<16xf32> to vector<16xf32>
      %add3A_269 = arith.constant 37376 : i32
      %add3A_270 = arith.addi %add3A_269, %mul3A_154 : i32
      %get3A_271 = arith.index_cast %add3A_270 : i32 to index
      %get3A_272 = tpu.vector_load %arg7[%get3A_271] {strides = array<i32>} : memref<51200xf32, #tpu.memory_space<vmem>>, vector<16xf32>,
      %get3A_273 = vector.shape_cast %get3A_272 : vector<16xf32> to vector<16xf32>
      %add3A_274 = arith.constant 37888 : i32
      %add3A_275 = arith.addi %add3A_274, %mul3A_154 : i32
      %get3A_276 = arith.index_cast %add3A_275 : i32 to index
      %get3A_277 = tpu.vector_load %arg7[%get3A_276] {strides = array<i32>} : memref<51200xf32, #tpu.memory_space<vmem>>, vector<16xf32>,
      %get3A_278 = vector.shape_cast %get3A_277 : vector<16xf32> to vector<16xf32>
      %get3A_279 = arith.index_cast %mul3A_154 : i32 to index
      %get3A_280 = tpu.vector_load %arg8[%get3A_279] {strides = array<i32>} : memref<512xf32, #tpu.memory_space<vmem>>, vector<16xf32>,
      %get3A_281 = vector.shape_cast %get3A_280 : vector<16xf32> to vector<16xf32>
      %add3A_282 = arith.addf %get3A_158, %get3A_163 : vector<16xf32>
      %add3A_283 = arith.addf %get3A_168, %get3A_173 : vector<16xf32>
      %add3A_284 = arith.addf %get3A_178, %get3A_183 : vector<16xf32>
      %add3A_285 = arith.addf %get3A_188, %get3A_193 : vector<16xf32>
      %add3A_286 = arith.addf %get3A_198, %get3A_203 : vector<16xf32>
      %add3A_287 = arith.addf %get3A_208, %get3A_213 : vector<16xf32>
      %add3A_288 = arith.addf %get3A_218, %get3A_223 : vector<16xf32>
      %add3A_289 = arith.addf %get3A_228, %get3A_233 : vector<16xf32>
      %add3A_290 = arith.addf %get3A_238, %get3A_243 : vector<16xf32>
      %add3A_291 = arith.addf %get3A_248, %get3A_253 : vector<16xf32>
      %add3A_292 = arith.addf %get3A_258, %get3A_263 : vector<16xf32>
      %add3A_293 = arith.addf %get3A_268, %get3A_273 : vector<16xf32>
      %add3A_294 = arith.addf %get3A_278, %get3A_281 : vector<16xf32>
      %add3A_295 = arith.addf %add3A_282, %add3A_283 : vector<16xf32>
      %add3A_296 = arith.addf %add3A_284, %add3A_285 : vector<16xf32>
      %add3A_297 = arith.addf %add3A_286, %add3A_287 : vector<16xf32>
      %add3A_298 = arith.addf %add3A_288, %add3A_289 : vector<16xf32>
      %add3A_299 = arith.addf %add3A_290, %add3A_291 : vector<16xf32>
      %add3A_300 = arith.addf %add3A_292, %add3A_293 : vector<16xf32>
      %add3A_301 = arith.addf %add3A_295, %add3A_296 : vector<16xf32>
      %add3A_302 = arith.addf %add3A_297, %add3A_298 : vector<16xf32>
      %add3A_303 = arith.addf %add3A_299, %add3A_300 : vector<16xf32>
      %add3A_304 = arith.addf %add3A_301, %add3A_302 : vector<16xf32>
      %add3A_305 = arith.addf %add3A_303, %add3A_294 : vector<16xf32>
      %add3A_306 = arith.addf %add3A_304, %add3A_305 : vector<16xf32>
      %swap3A = arith.index_cast %mul3A_154 : i32 to index
      %swap3A_307 = tpu.vector_load %arg8[%swap3A] {strides = array<i32>} : memref<512xf32, #tpu.memory_space<vmem>>, vector<16xf32>,
      %swap3A_308 = vector.shape_cast %swap3A_307 : vector<16xf32> to vector<16xf32>
      %swap3A_309 = vector.shape_cast %add3A_306 : vector<16xf32> to vector<16xf32>
      tpu.vector_store %arg8[%swap3A], %swap3A_309 {strides = array<i32>} : memref<512xf32, #tpu.memory_space<vmem>>, vector<16xf32>,
    }
    %scan3A_135 = arith.constant 32 : i32
    %dma_wait3A_136 = arith.constant 0 : i32
    %dma_wait3A_137 = arith.constant 38400 : i32
    %dma_wait3A_138 = tpu.memref_slice %arg7[%dma_wait3A_137] : memref<51200xf32, #tpu.memory_space<vmem>> -> memref<12800xf32, #tpu.memory_space<vmem>>
    %dma_wait3A_139 = arith.constant 38400 : i32
    %dma_wait3A_140 = tpu.memref_slice %arg6[%dma_wait3A_139] : memref<51200xi32, #tpu.memory_space<vmem>> -> memref<12800xi32, #tpu.memory_space<vmem>>
    %dma_wait3A_141 = arith.constant 0 : i32
    %dma_wait3A_142 = tpu.memref_slice %arg3[%dma_wait3A_136, %dma_wait3A_141] : memref<1x1000001xf32, #tpu.memory_space<hbm>> -> memref<1x1000001xf32, #tpu.memory_space<hbm>>
    %dma_wait3A_143 = tpu.memref_squeeze %dma_wait3A_142 : memref<1x1000001xf32, #tpu.memory_space<hbm>> -> memref<1000001xf32, #tpu.memory_space<hbm>>
    %dma_wait3A_144 = arith.constant 0 : i32
    %dma_wait3A_145 = tpu.memref_slice %dma_wait3A_143[%dma_wait3A_144] : memref<1000001xf32, #tpu.memory_space<hbm>> -> memref<1000001xf32, #tpu.memory_space<hbm>>
    tpu.wait_indirect_dma semaphore(%arg12 : memref<!tpu.dma_semaphore, #tpu.memory_space<semaphore_mem>>) src(%dma_wait3A_145 : memref<1000001xf32, #tpu.memory_space<hbm>>) dst(%dma_wait3A_138 : memref<12800xf32, #tpu.memory_space<vmem>>)
    %scan3A_146 = arith.constant 0 : i32
    %scan3A_147 = arith.constant 0 : i32
    %scan3A_148 = arith.constant 32 : i32
    %scan3A_149 = arith.addi %scan3A_147, %scan3A_148 : i32
    %scan3A_150 = arith.constant 1 : i32
    scf.for %scan3A_152 = %scan3A_147 to %scan3A_149 step %scan3A_150  : i32 {
      %mul3A_153 = arith.constant 16 : i32
      %mul3A_154 = arith.muli %scan3A_152, %mul3A_153 : i32
      %add3A_155 = arith.constant 38400 : i32
      %add3A_156 = arith.addi %add3A_155, %mul3A_154 : i32
      %get3A = arith.index_cast %add3A_156 : i32 to index
      %get3A_157 = tpu.vector_load %arg7[%get3A] {strides = array<i32>} : memref<51200xf32, #tpu.memory_space<vmem>>, vector<16xf32>,
      %get3A_158 = vector.shape_cast %get3A_157 : vector<16xf32> to vector<16xf32>
      %add3A_159 = arith.constant 38912 : i32
      %add3A_160 = arith.addi %add3A_159, %mul3A_154 : i32
      %get3A_161 = arith.index_cast %add3A_160 : i32 to index
      %get3A_162 = tpu.vector_load %arg7[%get3A_161] {strides = array<i32>} : memref<51200xf32, #tpu.memory_space<vmem>>, vector<16xf32>,
      %get3A_163 = vector.shape_cast %get3A_162 : vector<16xf32> to vector<16xf32>
      %add3A_164 = arith.constant 39424 : i32
      %add3A_165 = arith.addi %add3A_164, %mul3A_154 : i32
      %get3A_166 = arith.index_cast %add3A_165 : i32 to index
      %get3A_167 = tpu.vector_load %arg7[%get3A_166] {strides = array<i32>} : memref<51200xf32, #tpu.memory_space<vmem>>, vector<16xf32>,
      %get3A_168 = vector.shape_cast %get3A_167 : vector<16xf32> to vector<16xf32>
      %add3A_169 = arith.constant 39936 : i32
      %add3A_170 = arith.addi %add3A_169, %mul3A_154 : i32
      %get3A_171 = arith.index_cast %add3A_170 : i32 to index
      %get3A_172 = tpu.vector_load %arg7[%get3A_171] {strides = array<i32>} : memref<51200xf32, #tpu.memory_space<vmem>>, vector<16xf32>,
      %get3A_173 = vector.shape_cast %get3A_172 : vector<16xf32> to vector<16xf32>
      %add3A_174 = arith.constant 40448 : i32
      %add3A_175 = arith.addi %add3A_174, %mul3A_154 : i32
      %get3A_176 = arith.index_cast %add3A_175 : i32 to index
      %get3A_177 = tpu.vector_load %arg7[%get3A_176] {strides = array<i32>} : memref<51200xf32, #tpu.memory_space<vmem>>, vector<16xf32>,
      %get3A_178 = vector.shape_cast %get3A_177 : vector<16xf32> to vector<16xf32>
      %add3A_179 = arith.constant 40960 : i32
      %add3A_180 = arith.addi %add3A_179, %mul3A_154 : i32
      %get3A_181 = arith.index_cast %add3A_180 : i32 to index
      %get3A_182 = tpu.vector_load %arg7[%get3A_181] {strides = array<i32>} : memref<51200xf32, #tpu.memory_space<vmem>>, vector<16xf32>,
      %get3A_183 = vector.shape_cast %get3A_182 : vector<16xf32> to vector<16xf32>
      %add3A_184 = arith.constant 41472 : i32
      %add3A_185 = arith.addi %add3A_184, %mul3A_154 : i32
      %get3A_186 = arith.index_cast %add3A_185 : i32 to index
      %get3A_187 = tpu.vector_load %arg7[%get3A_186] {strides = array<i32>} : memref<51200xf32, #tpu.memory_space<vmem>>, vector<16xf32>,
      %get3A_188 = vector.shape_cast %get3A_187 : vector<16xf32> to vector<16xf32>
      %add3A_189 = arith.constant 41984 : i32
      %add3A_190 = arith.addi %add3A_189, %mul3A_154 : i32
      %get3A_191 = arith.index_cast %add3A_190 : i32 to index
      %get3A_192 = tpu.vector_load %arg7[%get3A_191] {strides = array<i32>} : memref<51200xf32, #tpu.memory_space<vmem>>, vector<16xf32>,
      %get3A_193 = vector.shape_cast %get3A_192 : vector<16xf32> to vector<16xf32>
      %add3A_194 = arith.constant 42496 : i32
      %add3A_195 = arith.addi %add3A_194, %mul3A_154 : i32
      %get3A_196 = arith.index_cast %add3A_195 : i32 to index
      %get3A_197 = tpu.vector_load %arg7[%get3A_196] {strides = array<i32>} : memref<51200xf32, #tpu.memory_space<vmem>>, vector<16xf32>,
      %get3A_198 = vector.shape_cast %get3A_197 : vector<16xf32> to vector<16xf32>
      %add3A_199 = arith.constant 43008 : i32
      %add3A_200 = arith.addi %add3A_199, %mul3A_154 : i32
      %get3A_201 = arith.index_cast %add3A_200 : i32 to index
      %get3A_202 = tpu.vector_load %arg7[%get3A_201] {strides = array<i32>} : memref<51200xf32, #tpu.memory_space<vmem>>, vector<16xf32>,
      %get3A_203 = vector.shape_cast %get3A_202 : vector<16xf32> to vector<16xf32>
      %add3A_204 = arith.constant 43520 : i32
      %add3A_205 = arith.addi %add3A_204, %mul3A_154 : i32
      %get3A_206 = arith.index_cast %add3A_205 : i32 to index
      %get3A_207 = tpu.vector_load %arg7[%get3A_206] {strides = array<i32>} : memref<51200xf32, #tpu.memory_space<vmem>>, vector<16xf32>,
      %get3A_208 = vector.shape_cast %get3A_207 : vector<16xf32> to vector<16xf32>
      %add3A_209 = arith.constant 44032 : i32
      %add3A_210 = arith.addi %add3A_209, %mul3A_154 : i32
      %get3A_211 = arith.index_cast %add3A_210 : i32 to index
      %get3A_212 = tpu.vector_load %arg7[%get3A_211] {strides = array<i32>} : memref<51200xf32, #tpu.memory_space<vmem>>, vector<16xf32>,
      %get3A_213 = vector.shape_cast %get3A_212 : vector<16xf32> to vector<16xf32>
      %add3A_214 = arith.constant 44544 : i32
      %add3A_215 = arith.addi %add3A_214, %mul3A_154 : i32
      %get3A_216 = arith.index_cast %add3A_215 : i32 to index
      %get3A_217 = tpu.vector_load %arg7[%get3A_216] {strides = array<i32>} : memref<51200xf32, #tpu.memory_space<vmem>>, vector<16xf32>,
      %get3A_218 = vector.shape_cast %get3A_217 : vector<16xf32> to vector<16xf32>
      %add3A_219 = arith.constant 45056 : i32
      %add3A_220 = arith.addi %add3A_219, %mul3A_154 : i32
      %get3A_221 = arith.index_cast %add3A_220 : i32 to index
      %get3A_222 = tpu.vector_load %arg7[%get3A_221] {strides = array<i32>} : memref<51200xf32, #tpu.memory_space<vmem>>, vector<16xf32>,
      %get3A_223 = vector.shape_cast %get3A_222 : vector<16xf32> to vector<16xf32>
      %add3A_224 = arith.constant 45568 : i32
      %add3A_225 = arith.addi %add3A_224, %mul3A_154 : i32
      %get3A_226 = arith.index_cast %add3A_225 : i32 to index
      %get3A_227 = tpu.vector_load %arg7[%get3A_226] {strides = array<i32>} : memref<51200xf32, #tpu.memory_space<vmem>>, vector<16xf32>,
      %get3A_228 = vector.shape_cast %get3A_227 : vector<16xf32> to vector<16xf32>
      %add3A_229 = arith.constant 46080 : i32
      %add3A_230 = arith.addi %add3A_229, %mul3A_154 : i32
      %get3A_231 = arith.index_cast %add3A_230 : i32 to index
      %get3A_232 = tpu.vector_load %arg7[%get3A_231] {strides = array<i32>} : memref<51200xf32, #tpu.memory_space<vmem>>, vector<16xf32>,
      %get3A_233 = vector.shape_cast %get3A_232 : vector<16xf32> to vector<16xf32>
      %add3A_234 = arith.constant 46592 : i32
      %add3A_235 = arith.addi %add3A_234, %mul3A_154 : i32
      %get3A_236 = arith.index_cast %add3A_235 : i32 to index
      %get3A_237 = tpu.vector_load %arg7[%get3A_236] {strides = array<i32>} : memref<51200xf32, #tpu.memory_space<vmem>>, vector<16xf32>,
      %get3A_238 = vector.shape_cast %get3A_237 : vector<16xf32> to vector<16xf32>
      %add3A_239 = arith.constant 47104 : i32
      %add3A_240 = arith.addi %add3A_239, %mul3A_154 : i32
      %get3A_241 = arith.index_cast %add3A_240 : i32 to index
      %get3A_242 = tpu.vector_load %arg7[%get3A_241] {strides = array<i32>} : memref<51200xf32, #tpu.memory_space<vmem>>, vector<16xf32>,
      %get3A_243 = vector.shape_cast %get3A_242 : vector<16xf32> to vector<16xf32>
      %add3A_244 = arith.constant 47616 : i32
      %add3A_245 = arith.addi %add3A_244, %mul3A_154 : i32
      %get3A_246 = arith.index_cast %add3A_245 : i32 to index
      %get3A_247 = tpu.vector_load %arg7[%get3A_246] {strides = array<i32>} : memref<51200xf32, #tpu.memory_space<vmem>>, vector<16xf32>,
      %get3A_248 = vector.shape_cast %get3A_247 : vector<16xf32> to vector<16xf32>
      %add3A_249 = arith.constant 48128 : i32
      %add3A_250 = arith.addi %add3A_249, %mul3A_154 : i32
      %get3A_251 = arith.index_cast %add3A_250 : i32 to index
      %get3A_252 = tpu.vector_load %arg7[%get3A_251] {strides = array<i32>} : memref<51200xf32, #tpu.memory_space<vmem>>, vector<16xf32>,
      %get3A_253 = vector.shape_cast %get3A_252 : vector<16xf32> to vector<16xf32>
      %add3A_254 = arith.constant 48640 : i32
      %add3A_255 = arith.addi %add3A_254, %mul3A_154 : i32
      %get3A_256 = arith.index_cast %add3A_255 : i32 to index
      %get3A_257 = tpu.vector_load %arg7[%get3A_256] {strides = array<i32>} : memref<51200xf32, #tpu.memory_space<vmem>>, vector<16xf32>,
      %get3A_258 = vector.shape_cast %get3A_257 : vector<16xf32> to vector<16xf32>
      %add3A_259 = arith.constant 49152 : i32
      %add3A_260 = arith.addi %add3A_259, %mul3A_154 : i32
      %get3A_261 = arith.index_cast %add3A_260 : i32 to index
      %get3A_262 = tpu.vector_load %arg7[%get3A_261] {strides = array<i32>} : memref<51200xf32, #tpu.memory_space<vmem>>, vector<16xf32>,
      %get3A_263 = vector.shape_cast %get3A_262 : vector<16xf32> to vector<16xf32>
      %add3A_264 = arith.constant 49664 : i32
      %add3A_265 = arith.addi %add3A_264, %mul3A_154 : i32
      %get3A_266 = arith.index_cast %add3A_265 : i32 to index
      %get3A_267 = tpu.vector_load %arg7[%get3A_266] {strides = array<i32>} : memref<51200xf32, #tpu.memory_space<vmem>>, vector<16xf32>,
      %get3A_268 = vector.shape_cast %get3A_267 : vector<16xf32> to vector<16xf32>
      %add3A_269 = arith.constant 50176 : i32
      %add3A_270 = arith.addi %add3A_269, %mul3A_154 : i32
      %get3A_271 = arith.index_cast %add3A_270 : i32 to index
      %get3A_272 = tpu.vector_load %arg7[%get3A_271] {strides = array<i32>} : memref<51200xf32, #tpu.memory_space<vmem>>, vector<16xf32>,
      %get3A_273 = vector.shape_cast %get3A_272 : vector<16xf32> to vector<16xf32>
      %add3A_274 = arith.constant 50688 : i32
      %add3A_275 = arith.addi %add3A_274, %mul3A_154 : i32
      %get3A_276 = arith.index_cast %add3A_275 : i32 to index
      %get3A_277 = tpu.vector_load %arg7[%get3A_276] {strides = array<i32>} : memref<51200xf32, #tpu.memory_space<vmem>>, vector<16xf32>,
      %get3A_278 = vector.shape_cast %get3A_277 : vector<16xf32> to vector<16xf32>
      %get3A_279 = arith.index_cast %mul3A_154 : i32 to index
      %get3A_280 = tpu.vector_load %arg8[%get3A_279] {strides = array<i32>} : memref<512xf32, #tpu.memory_space<vmem>>, vector<16xf32>,
      %get3A_281 = vector.shape_cast %get3A_280 : vector<16xf32> to vector<16xf32>
      %add3A_282 = arith.addf %get3A_158, %get3A_163 : vector<16xf32>
      %add3A_283 = arith.addf %get3A_168, %get3A_173 : vector<16xf32>
      %add3A_284 = arith.addf %get3A_178, %get3A_183 : vector<16xf32>
      %add3A_285 = arith.addf %get3A_188, %get3A_193 : vector<16xf32>
      %add3A_286 = arith.addf %get3A_198, %get3A_203 : vector<16xf32>
      %add3A_287 = arith.addf %get3A_208, %get3A_213 : vector<16xf32>
      %add3A_288 = arith.addf %get3A_218, %get3A_223 : vector<16xf32>
      %add3A_289 = arith.addf %get3A_228, %get3A_233 : vector<16xf32>
      %add3A_290 = arith.addf %get3A_238, %get3A_243 : vector<16xf32>
      %add3A_291 = arith.addf %get3A_248, %get3A_253 : vector<16xf32>
      %add3A_292 = arith.addf %get3A_258, %get3A_263 : vector<16xf32>
      %add3A_293 = arith.addf %get3A_268, %get3A_273 : vector<16xf32>
      %add3A_294 = arith.addf %get3A_278, %get3A_281 : vector<16xf32>
      %add3A_295 = arith.addf %add3A_282, %add3A_283 : vector<16xf32>
      %add3A_296 = arith.addf %add3A_284, %add3A_285 : vector<16xf32>
      %add3A_297 = arith.addf %add3A_286, %add3A_287 : vector<16xf32>
      %add3A_298 = arith.addf %add3A_288, %add3A_289 : vector<16xf32>
      %add3A_299 = arith.addf %add3A_290, %add3A_291 : vector<16xf32>
      %add3A_300 = arith.addf %add3A_292, %add3A_293 : vector<16xf32>
      %add3A_301 = arith.addf %add3A_295, %add3A_296 : vector<16xf32>
      %add3A_302 = arith.addf %add3A_297, %add3A_298 : vector<16xf32>
      %add3A_303 = arith.addf %add3A_299, %add3A_300 : vector<16xf32>
      %add3A_304 = arith.addf %add3A_301, %add3A_302 : vector<16xf32>
      %add3A_305 = arith.addf %add3A_303, %add3A_294 : vector<16xf32>
      %add3A_306 = arith.addf %add3A_304, %add3A_305 : vector<16xf32>
      %swap3A = arith.index_cast %mul3A_154 : i32 to index
      %swap3A_307 = tpu.vector_load %arg8[%swap3A] {strides = array<i32>} : memref<512xf32, #tpu.memory_space<vmem>>, vector<16xf32>,
      %swap3A_308 = vector.shape_cast %swap3A_307 : vector<16xf32> to vector<16xf32>
      %swap3A_309 = vector.shape_cast %add3A_306 : vector<16xf32> to vector<16xf32>
      tpu.vector_store %arg8[%swap3A], %swap3A_309 {strides = array<i32>} : memref<512xf32, #tpu.memory_space<vmem>>, vector<16xf32>,
    }
    %scan3A_151 = arith.constant 32 : i32
    "tpu.region"() ({
      %run_scoped3A = tpu.sem_alloc : memref<!tpu.dma_semaphore, #tpu.memory_space<semaphore_mem>>
      %dma_start3A_152 = tpu.memref_slice %arg5[%mul3A_2] : memref<16384xf32, #tpu.memory_space<hbm>> -> memref<512xf32, #tpu.memory_space<hbm>>
      %dma_start3A_153 = tpu.memref_slice %arg5[%mul3A_2] : memref<16384xf32, #tpu.memory_space<hbm>> -> memref<512xf32, #tpu.memory_space<hbm>>
      tpu.enqueue_dma source(%arg8 : memref<512xf32, #tpu.memory_space<vmem>>) target(%dma_start3A_153 : memref<512xf32, #tpu.memory_space<hbm>>) target_semaphore(%run_scoped3A : memref<!tpu.dma_semaphore, #tpu.memory_space<semaphore_mem>>)
      %dma_wait3A_154 = tpu.memref_slice %arg5[%mul3A_2] : memref<16384xf32, #tpu.memory_space<hbm>> -> memref<512xf32, #tpu.memory_space<hbm>>
      %dma_wait3A_155 = tpu.memref_slice %arg5[%mul3A_2] : memref<16384xf32, #tpu.memory_space<hbm>> -> memref<512xf32, #tpu.memory_space<hbm>>
      tpu.wait_dma2 semaphore(%run_scoped3A : memref<!tpu.dma_semaphore, #tpu.memory_space<semaphore_mem>>) src(%arg8 : memref<512xf32, #tpu.memory_space<vmem>>) dst(%dma_wait3A_155 : memref<512xf32, #tpu.memory_space<hbm>>)
      tpu.yield
    }) : () -> ()
    return
  }
}

</mosaic_0001>

<sc_bundles>
// kernel: kernel.3.cloned.1.call-start
scs
__scs_entry_jumppad:
0x0: {  	(pc) =	sbr.rel $0x88, $3  }
0x1: {  	(tag) =	ssettag $0x0;
	lr =	simm.s32 $0x1  }
0x2: {  	[smem:$0x3F9E] =	sst lr;
	_ =	strace $0xD0000000  }
0x3: {  	_ = 	snop  }
0x4: {  	_ = 	snop  }
0x5: {  	_ = 	snop  }
0x6: {  	_ = 	snop  }
0x7: {  	_ = 	snop  }
__scs_overlays_trampoline_lowered:
0x8: {  	[smem:$0x3FAD] =	sst s0  }
0x9: {  	[smem:$0x3FAE] =	sst s1  }
0xa: {  	[smem:$0x3FAF] =	sst s2  }
0xb: {  	[smem:$0x3FB0] =	sst s3  }
0xc: {  	[smem:$0x3FB1] =	sst s4  }
0xd: {  	[smem:$0x3FB2] =	sst s5  }
0xe: {  	[smem:$0x3FB3] =	sst s6  }
0xf: {  	[smem:$0x3FB4] =	sst s7  }
0x10: {  	[smem:$0x3FB5] =	sst s8  }
0x11: {  	[smem:$0x3FB6] =	sst s9;
	s0 =	simm.s32 @!p0 $0x0  }
0x12: {  	s1 =	sld [smem:$0x3F9C];
	s0 =	simm.s32 @p0 $0x1  }
0x13: {  	[smem:$0x3FB7] =	sst s0;
	s0 =	simm.s32 @!p1 $0x0  }
0x14: {  	s2 =	sld [smem:$0x3F9B];
	s0 =	simm.s32 @p1 $0x1  }
0x15: {  	[smem:$0x3FB8] =	sst s0;
	s0 =	simm.s32 @!p2 $0x0  }
0x16: {  	s3 =	sld [smem:$0x3FDB];
	s0 =	simm.s32 @p2 $0x1  }
0x17: {  	s4 =	simm.s32 $0x1BF5;
	[smem:$0x3FBA] =	sst s0  }
0x18: {  	s0 =	sld [smem:$0x3F9D];
	_ =	swait.ge [sflag:s4], $0x0  }
0x19: {  	s7 =	sld [smem:$0x3F9E]  }
0x1a: {  	s8 =	sadd.s32 $0xFFFFE003, lr  }
0x1b: {  	s9 =	sadd.s32 $0xFFFFFEF7, lr;
	s5 =	simm.s32 $0xFFFFFFFF;
	p2 =	slt.u32 s8, $0xFFFFF086  }
0x1c: {  	p1 =	slt.u32 s9, $0xF7A;
	s5 =	simm.s32 @!p2 $0x0  }
0x1d: {  	s5 =	simm.s32 @p1 $0x1;
	p0 =	seq.s32 s7, s2  }
0x1e: {  	s7 =	smul.u32 @!p0 $0xF7A, s2;
	p2 =	seq.s32 @!p0 s5, $0x0  }
0x1f: {  	s9 =	smul.u32 $0xF7A, s1;
	s8 =	simm.s32 @!p0 $0x1BF5;
	p2 =	por !p2, p0  }
0x20: {  	[sflag:s8] =	ssyncset.s32 @!p0 $0xFFFFF086;
	s6 =	sadd.s32 @!p0 s3, s7;
	s7 =	simm.s32 @!p0 $0x108  }
0x21: {  	s3 =	sadd.s32 s3, s9;
	s6 =	sadd.s32 @!p0 $0x88, s6;
	s7 =	simm.s32 @p2 $0x1082  }
0x22: {  	[simem:s7], [sflag:s8] =	dma.local @!p0 [hbm:s6], $0xF7A  }
0x23: {  	s9 =	sor.u32 $0xD0000000, s2;
	s6 =	simm.s32 $0x108;
	_ =	swait.ge @!p0 [sflag:s8], $0x0  }
0x24: {  	s3 =	sadd.s32 $0x88, s3;
	s6 =	simm.s32 @!p1 $0x1082;
	[sflag:s4] =	ssyncset.s32 $0xFFFFF086  }
0x25: {  	[simem:s6], [sflag:s4] =	dma.local [hbm:s3], $0xF7A  }
0x26: {  	[smem:$0x3F9E] =	sst s1;
	(tag) =	ssettag s2;
	_ =	strace s9  }
0x27: {  	s1 =	sld [smem:$0x3FAE]  }
0x28: {  	s2 =	sld [smem:$0x3FAF]  }
0x29: {  	s4 =	sld [smem:$0x3FB1]  }
0x2a: {  	p0 =	seq.s32 s5, $0x0;
	s5 =	sld [smem:$0x3FB2]  }
0x2b: {  	s6 =	sld [smem:$0x3FB3]  }
0x2c: {  	s7 =	sld [smem:$0x3FB4]  }
0x2d: {  	s3 =	simm.s32 $0x108;
	s8 =	sld [smem:$0x3FB5]  }
0x2e: {  	s3 =	simm.s32 @!p0 $0x1082;
	s9 =	sld [smem:$0x3FB6]  }
0x2f: {  	lr =	sadd.s32 s0, s3;
	s0 =	sld [smem:$0x3FAD]  }
0x30: {  	s3 =	sld [smem:$0x3FB0]  }
0x31: {  	[smem:$0x3FB9] =	sst s10  }
0x32: {  	s10 =	sld [smem:$0x3FB7];
	_ =	sdelay $0x3  }
0x33: {  	p0 =	seq.s32 s10, $0x1;
	s10 =	sld [smem:$0x3FB9];
	_ =	sdelay $0x3  }
0x34: {  	[smem:$0x3FB9] =	sst s10  }
0x35: {  	s10 =	sld [smem:$0x3FB8];
	_ =	sdelay $0x3  }
0x36: {  	p1 =	seq.s32 s10, $0x1;
	s10 =	sld [smem:$0x3FB9];
	_ =	sdelay $0x3  }
0x37: {  	[smem:$0x3FB9] =	sst s10  }
0x38: {  	s10 =	sld [smem:$0x3FBA]  }
0x39: {  	_ = 	snop;
	(pc) =	sbr.ind lr, $3  }
0x3a: {  	_ = 	snop  }
0x3b: {  	_ = 	snop  }
0x3c: {  	p2 =	seq.s32 s10, $0x1;
	s10 =	sld [smem:$0x3FB9]  }
0x3d: {  	_ =	shalt  }
0x3e: {  	_ =	shalt  }
0x3f: {  	_ =	shalt  }
0x40: {  	_ =	shalt  }
0x41: {  	_ =	shalt  }
0x42: {  	_ =	shalt  }
0x43: {  	_ =	shalt  }
0x44: {  	_ =	shalt  }
0x45: {  	_ =	shalt  }
0x46: {  	_ =	shalt  }
0x47: {  	_ =	shalt  }
0x48: {  	_ =	shalt  }
0x49: {  	_ =	shalt  }
0x4a: {  	_ =	shalt  }
0x4b: {  	_ =	shalt  }
0x4c: {  	_ =	shalt  }
0x4d: {  	_ =	shalt  }
0x4e: {  	_ =	shalt  }
0x4f: {  	_ =	shalt  }
0x50: {  	_ =	shalt  }
0x51: {  	_ =	shalt  }
0x52: {  	_ =	shalt  }
0x53: {  	_ =	shalt  }
0x54: {  	_ =	shalt  }
0x55: {  	_ =	shalt  }
0x56: {  	_ =	shalt  }
0x57: {  	_ =	shalt  }
0x58: {  	_ =	shalt  }
0x59: {  	_ =	shalt  }
0x5a: {  	_ =	shalt  }
0x5b: {  	_ =	shalt  }
0x5c: {  	_ =	shalt  }
0x5d: {  	_ =	shalt  }
0x5e: {  	_ =	shalt  }
0x5f: {  	_ =	shalt  }
0x60: {  	_ =	shalt  }
0x61: {  	_ =	shalt  }
0x62: {  	_ =	shalt  }
0x63: {  	_ =	shalt  }
0x64: {  	_ =	shalt  }
0x65: {  	_ =	shalt  }
0x66: {  	_ =	shalt  }
0x67: {  	_ =	shalt  }
0x68: {  	_ =	shalt  }
0x69: {  	_ =	shalt  }
0x6a: {  	_ =	shalt  }
0x6b: {  	_ =	shalt  }
0x6c: {  	_ =	shalt  }
0x6d: {  	_ =	shalt  }
0x6e: {  	_ =	shalt  }
0x6f: {  	_ =	shalt  }
0x70: {  	_ =	shalt  }
0x71: {  	_ =	shalt  }
0x72: {  	_ =	shalt  }
0x73: {  	_ =	shalt  }
0x74: {  	_ =	shalt  }
0x75: {  	_ =	shalt  }
0x76: {  	_ =	shalt  }
0x77: {  	_ =	shalt  }
0x78: {  	_ =	shalt  }
0x79: {  	_ =	shalt  }
0x7a: {  	_ =	shalt  }
0x7b: {  	_ =	shalt  }
0x7c: {  	_ =	shalt  }
0x7d: {  	_ =	shalt  }
0x7e: {  	_ =	shalt  }
0x7f: {  	_ =	shalt  }
0x80: {  	_ =	shalt  }
0x81: {  	_ =	shalt  }
0x82: {  	_ =	shalt  }
0x83: {  	_ =	shalt  }
0x84: {  	_ =	shalt  }
0x85: {  	_ =	shalt  }
0x86: {  	_ =	shalt  }
0x87: {  	_ =	shalt  }
.Lfunc_end0:
.L_simem_size_0:
called_computation_lowered:
.L_overlay_start_0:
0x88: {  	s2 =	sld [smem:$0x3FD9]  }
0x89: {  	s3 =	sld [smem:$0x3FFE];
	_ =	sdelay $0x1  }
0x8a: {  	s1 =	srdreg.scid  }
0x8b: {  	s0 =	sand.u32 $0x1, s1  }
0x8c: {  	s17 =	sshll.u32 s0, $0xA;
	s2 =	sadd.s32 s3, s2  }
0x8d: {  	s2 =	sadd.s32 s2, s17  }
0x8e: {  	[smem:$0x3FC5] =	sst s2  }
0x8f: {  	_ = 	snop  }
0x90: {  	s2 =	sld [smem:$0x3FC9]  }
0x91: {  	s18 =	sld [smem:$0x3FC8]  }
0x92: {  	s4 =	sld [smem:$0x3FD0];
	(tm) =	ssettm $0x1  }
0x93: {  	s5 =	sld [smem:$0x3FFB];
	_ =	sdelay $0x3  }
0x94: {  	_ =	strace s5  }
0x95: {  	s5 =	sld [smem:$0x3FFC];
	_ =	sdelay $0x3  }
0x96: {  	_ =	strace s5  }
0x97: {  	s5 =	sld [smem:$0x3FFD];
	_ =	sdelay $0x3  }
0x98: {  	_ =	strace s5  }
0x99: {  	_ =	strace $0x8FFFFFFF  }
0x9a: {  	s19 =	sld [smem:$0x3FDB];
	_ =	sdelay $0x1  }
0x9b: {  	s6 =	simm.s32 $_scs_section_size  }
0x9c: {  	s7 =	simm.s32 $_size__tile_overlayer_lowered;
	s8 =	simm.s32 $_tile_overlayer_lowered  }
0x9d: {  	s22 =	simm.s32 $0x1BFF;
	s21 =	sshll.u32 s8, $0x1;
	s5 =	sadd.s32 s6, s19  }
0x9e: {  	s9 =	simm.s32 $0x0;
	s20 =	sshll.u32 s7, $0x1;
	s7 =	sadd.s32 s21, s5  }
0x9f: {  	[timem:s9], [sflag:s22] =	dma.local [hbm:s7], s20  }
0xa0: {  	_ =	swait.ge [sflag:s22], s20  }
0xa1: {  	s6 =	ssub.s32 $0x0, s20;
	[sflag:s22] =	ssyncset.done $0x0  }
0xa2: {  	[sflag:s22] =	ssyncadd.s32 s6;
	_ =	sdelay $0x1  }
0xa3: {  	s23 =	simm.s32 $0x1B8B  }
0xa4: {  	_ =	swait.ge [sflag:s23], $0x1  }
0xa5: {  	[sflag:s23] =	ssyncset.done $0x0  }
0xa6: {  	s25 =	simm.s32 $0x1B8E;
	s24 =	sld [smem:$0x3FFE];
	[sflag:s23] =	ssyncadd.s32 $0xFFFFFFFF  }
0xa7: {  	s26 =	simm.s32 $execute0_lowered;
	[smem:$0x3FD2] =	sst s25  }
0xa8: {  	s7 =	sshll.u32 s26, $0x1;
	_ =	strace $0x80000046;
	[dreg:$0x1] =	wrdreg $0xFFFFFFFF  }
0xa9: {  	s28 =	simm.s32 $_size_execute0_lowered;
	s5 =	sadd.s32 s5, s7;
	[dreg:$0x0] =	wrdreg $0x0  }
0xaa: {  	s7 =	sshll.u32 s28, $0x1;
	[dreg:$0x2] =	wrdreg s5  }
0xab: {  	[dreg:$0x3] =	wrdreg s7  }
0xac: {  	[dreg:$0x4] =	wrdreg $0xC0  }
0xad: {  	_ =	task [dreg:s9], $0x5FFFF  }
0xae: {  	[dreg:$0x1] =	wrdreg $0xFFFFFFFF  }
0xaf: {  	[dreg:$0x0] =	wrdreg $0x60  }
0xb0: {  	[dreg:$0x2] =	wrdreg s2  }
0xb1: {  	[dreg:$0x3] =	wrdreg s18  }
0xb2: {  	[dreg:$0x4] =	wrdreg s24  }
0xb3: {  	[dreg:$0x5] =	wrdreg s4  }
0xb4: {  	[dreg:$0x6] =	wrdreg $0x9  }
0xb5: {  	_ =	task.clear_ibuf [dreg:s9], $0x7FFFF;
	_ =	strace $0x90000046  }
0xb6: {  	s29 =	simm.s32 $0x9;
	_ =	strace $0x80000048  }
0xb7: {  	_ =	swait.ge [sflag:s29], $0x1  }
0xb8: {  	[sflag:s29] =	ssyncadd.s32 $0xFFFFFFFF  }
0xb9: {  	_ =	strace $0x90000048  }
0xba: {  	_ =	sfence  }
0xbb: {  	s30 =	sld [smem:$0x0];
	_ =	sdelay $0x2  }
0xbc: {  	s31 =	sshll.u32 s1, $0xD;
	s1 =	sshrl.u32 s1, $0x2  }
0xbd: {  	s3 =	sand.u32 $0x4000, s31;
	s1 =	sadd.s32 s1, s30  }
0xbe: {  	s0 =	sor.u32 s3, s0;
	s1 =	sshll.u32 s1, $0x11  }
0xbf: {  	s0 =	sor.u32 s1, s0  }
0xc0: {  	s0 =	sadd.s32 $0x8F2B, s0  }
0xc1: {  	[sflag:s0] =	ssyncadd.remote.s32 $0x1  }
0xc2: {  	_ =	sfence.sel $0xFFFF  }
0xc3: {  	[dreg:$0x0] =	wrdreg $0xFFFFFFFF;
	(pc) =	sbr.abs _section_cstart, $3  }
0xc4: {  	[dreg:$0x1] =	wrdreg $0xFFFFFFFF  }
0xc5: {  	_ =	task.clear_ibuf [dreg:s9], $0x2FFFF;
	_ =	strace $0x9FFFFFFF  }
0xc6: {  	(tm) =	ssettm $0x7FFFFFFF  }
0xc7: {  	_ =	shalt  }
tec
execute0_lowered:
.L_overlay_start_1:
0x0: {  	(tag) =	ssettag $0x1  }
0x1: {  	s5 =	rddreg [dreg:$0x0]  }
0x2: {  	s1 =	rddreg [dreg:$0x1]  }
0x3: {  	s4 =	rddreg [dreg:$0x2]  }
0x4: {  	s6 =	rddreg [dreg:$0x3]  }
0x5: {  	s0 =	rddreg [dreg:$0x4];
	s3 =	simm.s32 $0x0;
	s7 =	srdreg.scid  }
0x6: {  	s2 =	stileid.u32;
	s11 =	simm.s32 $0x4;
	s12 =	simm.s32 $0x1  }
0x7: {  	s13 =	simm.s32 $0x3200;
	s14 =	simm.s32 $0xFA00;
	s15 =	simm.s32 $0x2  }
0x8: {  	s16 =	simm.s32 $0x6400;
	s17 =	simm.s32 $0x12C00;
	s18 =	simm.s32 $0x3  }
0x9: {  	s19 =	simm.s32 $0x9600;
	s20 =	simm.s32 $0x15E00;
	s21 =	simm.s32 $0x19000  }
0xa: {  	s22 =	simm.s32 $0x0;
	[smem:$0x7FF] =	sst s3;
	s7 =	sand.u32 $0x1, s7  }
0xb: {  	s9 =	sshll.u32 s2, $0xA;
	s8 =	ssub.s32 $0x2, s7;
	s7 =	sshll.u32 s7, $0x9  }
0xc: {  	s4 =	sadd.s32 $0x400, s4;
	s10 =	sshrl.u32 s8, $0x1;
	s7 =	sor.u32 s7, s9  }
0xd: {  	_ =	strace $0x80000047;
	s8 =	ssub.s32 s8, s10;
	s9 =	sshrl.u32 s7, $0x3  }
0xe: {  	s5 =	sadd.s32 s5, s7;
	s10 =	simm.s32 $0x19200;
	s6 =	sadd.s32 s6, s9  }
0xf: {  	s7 =	smax.u32 s8, $0x1;
	s8 =	simm.s32 $0x80;
	s9 =	simm.s32 $0x400  }
.LBB2_1:
0x10: {  	s23 =	sand.u32 $0xC000, s3;
	s24 =	sand.u32 $0x70, s3  }
0x11: {  	s23 =	sor.u32 s24, s23  }
0x12: {  	s31 =	simm.s32 $0x0;
	s23 =	sadd.s32 s23, s5  }
0x13: {  	[tilespmem:s31], [sflag:$0x1] =	stream.strided.gather [hbm4b:s23+s8], $0x200, s9, s8, $0x38;
	[tilespmem:$0x19280] =	vst v63  }
0x14: {  	s24 =	simm.s32 $0x0;
	s23 =	simm.s32 $0x800  }
.LBB2_2:
0x15: {  	s25 =	sand.u32 $0xC000, s23;
	p0 =	sne.s32 s23, $0xC000  }
.Ltmp0:
0x16: {  	s24 =	sadd.s32 $0x10, s24;
	s26 =	smov.u32 s23;
	(pc) =	sbr.rel @p0 .LBB2_2-.Ltmp0, $4  }
0x17: {  	s23 =	sadd.s32 $0x800, s23;
	s28 =	sand.u32 $0x70, s24  }
0x18: {  	s25 =	sor.u32 s28, s25  }
0x19: {  	s26 =	sshra.s32 s26, $0x2;
	s25 =	sadd.s32 s25, s5  }
0x1a: {  	[tilespmem:s26], [sflag:$0x1] =	stream.strided.gather [hbm4b:s25+s8], $0x200, s9, s8, $0x38;
	[tilespmem:$0x19280] =	vst v63  }
0x1b: {  	[tilespmem:s10], [sflag:$0x4] =	stream.linear.gather [hbm4b:s4+s3], $0x80, $0x38;
	[tilespmem:$0x19280] =	vst v63  }
0x1c: {  	_ =	swait.ge [sflag:s11], $0x80  }
0x1d: {  	[sflag:s11] =	ssyncset.done $0x0  }
0x1e: {  	[sflag:s11] =	ssyncadd.s32 $0xFFFFFF80  }
0x1f: {  	_ =	swait.ge [sflag:s12], $0x200  }
0x20: {  	[sflag:s12] =	ssyncset.done $0x0  }
0x21: {  	[sflag:s12] =	ssyncadd.s32 $0xFFFFFE00  }
0x22: {  	_ =	swait.ge [sflag:s12], $0x200  }
0x23: {  	[sflag:s12] =	ssyncset.done $0x0  }
0x24: {  	[sflag:s12] =	ssyncadd.s32 $0xFFFFFE00  }
0x25: {  	_ =	swait.ge [sflag:s12], $0x200  }
0x26: {  	[sflag:s12] =	ssyncset.done $0x0  }
0x27: {  	[sflag:s12] =	ssyncadd.s32 $0xFFFFFE00  }
0x28: {  	_ =	swait.ge [sflag:s12], $0x200  }
0x29: {  	[sflag:s12] =	ssyncset.done $0x0  }
0x2a: {  	[sflag:s12] =	ssyncadd.s32 $0xFFFFFE00  }
0x2b: {  	_ =	swait.ge [sflag:s12], $0x200  }
0x2c: {  	[sflag:s12] =	ssyncset.done $0x0  }
0x2d: {  	[sflag:s12] =	ssyncadd.s32 $0xFFFFFE00  }
0x2e: {  	_ =	swait.ge [sflag:s12], $0x200  }
0x2f: {  	[sflag:s12] =	ssyncset.done $0x0  }
0x30: {  	[sflag:s12] =	ssyncadd.s32 $0xFFFFFE00  }
0x31: {  	_ =	swait.ge [sflag:s12], $0x200  }
0x32: {  	[sflag:s12] =	ssyncset.done $0x0  }
0x33: {  	[sflag:s12] =	ssyncadd.s32 $0xFFFFFE00  }
0x34: {  	_ =	swait.ge [sflag:s12], $0x200  }
0x35: {  	[sflag:s12] =	ssyncset.done $0x0  }
0x36: {  	[sflag:s12] =	ssyncadd.s32 $0xFFFFFE00  }
0x37: {  	_ =	swait.ge [sflag:s12], $0x200  }
0x38: {  	[sflag:s12] =	ssyncset.done $0x0  }
0x39: {  	[sflag:s12] =	ssyncadd.s32 $0xFFFFFE00  }
0x3a: {  	_ =	swait.ge [sflag:s12], $0x200  }
0x3b: {  	[sflag:s12] =	ssyncset.done $0x0  }
0x3c: {  	[sflag:s12] =	ssyncadd.s32 $0xFFFFFE00  }
0x3d: {  	_ =	swait.ge [sflag:s12], $0x200  }
0x3e: {  	[sflag:s12] =	ssyncset.done $0x0  }
0x3f: {  	[sflag:s12] =	ssyncadd.s32 $0xFFFFFE00  }
0x40: {  	_ =	swait.ge [sflag:s12], $0x200  }
0x41: {  	[sflag:s12] =	ssyncset.done $0x0  }
0x42: {  	[sflag:s12] =	ssyncadd.s32 $0xFFFFFE00  }
0x43: {  	_ =	swait.ge [sflag:s12], $0x200  }
0x44: {  	[sflag:s12] =	ssyncset.done $0x0  }
0x45: {  	[sflag:s12] =	ssyncadd.s32 $0xFFFFFE00  }
0x46: {  	_ =	swait.ge [sflag:s12], $0x200  }
0x47: {  	[sflag:s12] =	ssyncset.done $0x0  }
0x48: {  	[sflag:s12] =	ssyncadd.s32 $0xFFFFFE00  }
0x49: {  	_ =	swait.ge [sflag:s12], $0x200  }
0x4a: {  	[sflag:s12] =	ssyncset.done $0x0  }
0x4b: {  	[sflag:s12] =	ssyncadd.s32 $0xFFFFFE00  }
0x4c: {  	_ =	swait.ge [sflag:s12], $0x200  }
0x4d: {  	[sflag:s12] =	ssyncset.done $0x0  }
0x4e: {  	[sflag:s12] =	ssyncadd.s32 $0xFFFFFE00  }
0x4f: {  	_ =	swait.ge [sflag:s12], $0x200  }
0x50: {  	[sflag:s12] =	ssyncset.done $0x0  }
0x51: {  	[sflag:s12] =	ssyncadd.s32 $0xFFFFFE00  }
0x52: {  	_ =	swait.ge [sflag:s12], $0x200  }
0x53: {  	[sflag:s12] =	ssyncset.done $0x0  }
0x54: {  	[sflag:s12] =	ssyncadd.s32 $0xFFFFFE00  }
0x55: {  	_ =	swait.ge [sflag:s12], $0x200  }
0x56: {  	[sflag:s12] =	ssyncset.done $0x0  }
0x57: {  	[sflag:s12] =	ssyncadd.s32 $0xFFFFFE00  }
0x58: {  	_ =	swait.ge [sflag:s12], $0x200  }
0x59: {  	[sflag:s12] =	ssyncset.done $0x0  }
0x5a: {  	[sflag:s12] =	ssyncadd.s32 $0xFFFFFE00  }
0x5b: {  	_ =	swait.ge [sflag:s12], $0x200  }
0x5c: {  	[sflag:s12] =	ssyncset.done $0x0  }
0x5d: {  	[sflag:s12] =	ssyncadd.s32 $0xFFFFFE00  }
0x5e: {  	_ =	swait.ge [sflag:s12], $0x200  }
0x5f: {  	[sflag:s12] =	ssyncset.done $0x0  }
0x60: {  	[sflag:s12] =	ssyncadd.s32 $0xFFFFFE00  }
0x61: {  	_ =	swait.ge [sflag:s12], $0x200  }
0x62: {  	[sflag:s12] =	ssyncset.done $0x0  }
0x63: {  	[sflag:s12] =	ssyncadd.s32 $0xFFFFFE00  }
0x64: {  	_ =	swait.ge [sflag:s12], $0x200  }
0x65: {  	[sflag:s12] =	ssyncset.done $0x0  }
0x66: {  	[sflag:s12] =	ssyncadd.s32 $0xFFFFFE00  }
0x67: {  	_ =	swait.ge [sflag:s12], $0x200  }
0x68: {  	[sflag:s12] =	ssyncset.done $0x0  }
0x69: {  	s24 =	simm.s32 $0xC800;
	s23 =	simm.s32 $0x190;
	[sflag:s12] =	ssyncadd.s32 $0xFFFFFE00  }
0x6a: {  	[tilespmem:s24], [sflag:$0x2] =	stream.indirect.gather [hbm4b:s1+s13], $0x1, s3, s13, $0xb8;
	[tilespmem:$0x19280] =	vst v63  }
0x6b: {  	s25 =	sand.u32 $0x70, s23;
	s24 =	sand.u32 $0x1C000, s24  }
0x6c: {  	s24 =	sor.u32 s25, s24  }
0x6d: {  	s31 =	simm.s32 $0x3200;
	s24 =	sadd.s32 s24, s5  }
0x6e: {  	[tilespmem:s31], [sflag:$0x1] =	stream.strided.gather [hbm4b:s24+s8], $0x200, s9, s8, $0x38;
	[tilespmem:$0x19280] =	vst v63  }
0x6f: {  	s24 =	simm.s32 $0xD000  }
.LBB2_4:
0x70: {  	s25 =	sand.u32 $0x1C000, s24;
	p0 =	sne.s32 s24, $0x18800  }
.Ltmp1:
0x71: {  	s23 =	sadd.s32 $0x10, s23;
	s26 =	smov.u32 s24;
	(pc) =	sbr.rel @p0 .LBB2_4-.Ltmp1, $4  }
0x72: {  	s24 =	sadd.s32 $0x800, s24;
	s28 =	sand.u32 $0x70, s23  }
0x73: {  	s25 =	sor.u32 s28, s25  }
0x74: {  	s26 =	sshra.s32 s26, $0x2;
	s25 =	sadd.s32 s25, s5  }
0x75: {  	[tilespmem:s26], [sflag:$0x1] =	stream.strided.gather [hbm4b:s25+s8], $0x200, s9, s8, $0x38;
	[tilespmem:$0x19280] =	vst v63  }
0x76: {  	_ =	swait.ge [sflag:s12], $0x200  }
0x77: {  	[sflag:s12] =	ssyncset.done $0x0  }
0x78: {  	[sflag:s12] =	ssyncadd.s32 $0xFFFFFE00  }
0x79: {  	_ =	swait.ge [sflag:s12], $0x200  }
0x7a: {  	[sflag:s12] =	ssyncset.done $0x0  }
0x7b: {  	[sflag:s12] =	ssyncadd.s32 $0xFFFFFE00  }
0x7c: {  	_ =	swait.ge [sflag:s12], $0x200  }
0x7d: {  	[sflag:s12] =	ssyncset.done $0x0  }
0x7e: {  	[sflag:s12] =	ssyncadd.s32 $0xFFFFFE00  }
0x7f: {  	_ =	swait.ge [sflag:s12], $0x200  }
0x80: {  	[sflag:s12] =	ssyncset.done $0x0  }
0x81: {  	[sflag:s12] =	ssyncadd.s32 $0xFFFFFE00  }
0x82: {  	_ =	swait.ge [sflag:s12], $0x200  }
0x83: {  	[sflag:s12] =	ssyncset.done $0x0  }
0x84: {  	[sflag:s12] =	ssyncadd.s32 $0xFFFFFE00  }
0x85: {  	_ =	swait.ge [sflag:s12], $0x200  }
0x86: {  	[sflag:s12] =	ssyncset.done $0x0  }
0x87: {  	[sflag:s12] =	ssyncadd.s32 $0xFFFFFE00  }
0x88: {  	_ =	swait.ge [sflag:s12], $0x200  }
0x89: {  	[sflag:s12] =	ssyncset.done $0x0  }
0x8a: {  	[sflag:s12] =	ssyncadd.s32 $0xFFFFFE00  }
0x8b: {  	_ =	swait.ge [sflag:s12], $0x200  }
0x8c: {  	[sflag:s12] =	ssyncset.done $0x0  }
0x8d: {  	[sflag:s12] =	ssyncadd.s32 $0xFFFFFE00  }
0x8e: {  	_ =	swait.ge [sflag:s12], $0x200  }
0x8f: {  	[sflag:s12] =	ssyncset.done $0x0  }
0x90: {  	[sflag:s12] =	ssyncadd.s32 $0xFFFFFE00  }
0x91: {  	_ =	swait.ge [sflag:s12], $0x200  }
0x92: {  	[sflag:s12] =	ssyncset.done $0x0  }
0x93: {  	[sflag:s12] =	ssyncadd.s32 $0xFFFFFE00  }
0x94: {  	_ =	swait.ge [sflag:s12], $0x200  }
0x95: {  	[sflag:s12] =	ssyncset.done $0x0  }
0x96: {  	[sflag:s12] =	ssyncadd.s32 $0xFFFFFE00  }
0x97: {  	_ =	swait.ge [sflag:s12], $0x200  }
0x98: {  	[sflag:s12] =	ssyncset.done $0x0  }
0x99: {  	[sflag:s12] =	ssyncadd.s32 $0xFFFFFE00  }
0x9a: {  	_ =	swait.ge [sflag:s12], $0x200  }
0x9b: {  	[sflag:s12] =	ssyncset.done $0x0  }
0x9c: {  	[sflag:s12] =	ssyncadd.s32 $0xFFFFFE00  }
0x9d: {  	_ =	swait.ge [sflag:s12], $0x200  }
0x9e: {  	[sflag:s12] =	ssyncset.done $0x0  }
0x9f: {  	[sflag:s12] =	ssyncadd.s32 $0xFFFFFE00  }
0xa0: {  	_ =	swait.ge [sflag:s12], $0x200  }
0xa1: {  	[sflag:s12] =	ssyncset.done $0x0  }
0xa2: {  	[sflag:s12] =	ssyncadd.s32 $0xFFFFFE00  }
0xa3: {  	_ =	swait.ge [sflag:s12], $0x200  }
0xa4: {  	[sflag:s12] =	ssyncset.done $0x0  }
0xa5: {  	[sflag:s12] =	ssyncadd.s32 $0xFFFFFE00  }
0xa6: {  	_ =	swait.ge [sflag:s12], $0x200  }
0xa7: {  	[sflag:s12] =	ssyncset.done $0x0  }
0xa8: {  	[sflag:s12] =	ssyncadd.s32 $0xFFFFFE00  }
0xa9: {  	_ =	swait.ge [sflag:s12], $0x200  }
0xaa: {  	[sflag:s12] =	ssyncset.done $0x0  }
0xab: {  	[sflag:s12] =	ssyncadd.s32 $0xFFFFFE00  }
0xac: {  	_ =	swait.ge [sflag:s12], $0x200  }
0xad: {  	[sflag:s12] =	ssyncset.done $0x0  }
0xae: {  	[sflag:s12] =	ssyncadd.s32 $0xFFFFFE00  }
0xaf: {  	_ =	swait.ge [sflag:s12], $0x200  }
0xb0: {  	[sflag:s12] =	ssyncset.done $0x0  }
0xb1: {  	[sflag:s12] =	ssyncadd.s32 $0xFFFFFE00  }
0xb2: {  	_ =	swait.ge [sflag:s12], $0x200  }
0xb3: {  	[sflag:s12] =	ssyncset.done $0x0  }
0xb4: {  	[sflag:s12] =	ssyncadd.s32 $0xFFFFFE00  }
0xb5: {  	_ =	swait.ge [sflag:s12], $0x200  }
0xb6: {  	[sflag:s12] =	ssyncset.done $0x0  }
0xb7: {  	[sflag:s12] =	ssyncadd.s32 $0xFFFFFE00  }
0xb8: {  	_ =	swait.ge [sflag:s12], $0x200  }
0xb9: {  	[sflag:s12] =	ssyncset.done $0x0  }
0xba: {  	[sflag:s12] =	ssyncadd.s32 $0xFFFFFE00  }
0xbb: {  	_ =	swait.ge [sflag:s12], $0x200  }
0xbc: {  	[sflag:s12] =	ssyncset.done $0x0  }
0xbd: {  	[sflag:s12] =	ssyncadd.s32 $0xFFFFFE00  }
0xbe: {  	s24 =	simm.s32 $0x19000;
	s23 =	simm.s32 $0x320;
	_ =	swait.ge [sflag:s12], $0x200  }
0xbf: {  	s24 =	sand.u32 $0x3C000, s24;
	s25 =	sand.u32 $0x70, s23;
	[sflag:s12] =	ssyncset.done $0x0  }
0xc0: {  	s24 =	sor.u32 s25, s24;
	[sflag:s12] =	ssyncadd.s32 $0xFFFFFE00  }
0xc1: {  	[tilespmem:s14], [sflag:$0x3] =	stream.indirect.gather [hbm4b:s1+s13], $0x1, s13, s13, $0xb8;
	[tilespmem:$0x19280] =	vst v63  }
0xc2: {  	s31 =	simm.s32 $0x6400;
	s24 =	sadd.s32 s24, s5  }
0xc3: {  	[tilespmem:s31], [sflag:$0x1] =	stream.strided.gather [hbm4b:s24+s8], $0x200, s9, s8, $0x38;
	[tilespmem:$0x19280] =	vst v63  }
0xc4: {  	s24 =	simm.s32 $0x19800  }
.LBB2_6:
0xc5: {  	s25 =	sand.u32 $0x3C000, s24;
	p0 =	sne.s32 s24, $0x25000  }
.Ltmp2:
0xc6: {  	s23 =	sadd.s32 $0x10, s23;
	s26 =	smov.u32 s24;
	(pc) =	sbr.rel @p0 .LBB2_6-.Ltmp2, $4  }
0xc7: {  	s24 =	sadd.s32 $0x800, s24;
	s28 =	sand.u32 $0x70, s23  }
0xc8: {  	s25 =	sor.u32 s28, s25  }
0xc9: {  	s26 =	sshra.s32 s26, $0x2;
	s25 =	sadd.s32 s25, s5  }
0xca: {  	[tilespmem:s26], [sflag:$0x1] =	stream.strided.gather [hbm4b:s25+s8], $0x200, s9, s8, $0x38;
	[tilespmem:$0x19280] =	vst v63  }
0xcb: {  	_ =	swait.ge [sflag:s15], $0x3200  }
0xcc: {  	s23 =	simm.s32 $0x0;
	[sflag:s15] =	ssyncset.done $0x0  }
0xcd: {  	s23 =	sand.u32 $0x1F0, s23;
	[sflag:s15] =	ssyncadd.s32 $0xFFFFCE00  }
0xce: {  	s24 =	simm.s32 $0xC800;
	v0 =	vld [tilespmem:s23+$0xCA00]  }
0xcf: {  	v1 =	vld [tilespmem:s24+$0x0]  }
0xd0: {  	v2 =	vld [tilespmem:s23+$0xCC00]  }
0xd1: {  	v3 =	vld [tilespmem:s23+$0xCE00]  }
0xd2: {  	v4 =	vld [tilespmem:s23+$0xD000]  }
0xd3: {  	v5 =	vld [tilespmem:s23+$0xD200]  }
0xd4: {  	v6 =	vld [tilespmem:s23+$0xD400]  }
0xd5: {  	v7 =	vld [tilespmem:s23+$0xD600]  }
0xd6: {  	v8 =	vld [tilespmem:s23+$0xD800]  }
0xd7: {  	v9 =	vld [tilespmem:s23+$0xDA00]  }
0xd8: {  	v10 =	vld [tilespmem:s23+$0xDC00]  }
0xd9: {  	v11 =	vld [tilespmem:s23+$0xDE00]  }
0xda: {  	v12 =	vld [tilespmem:s23+$0xE000]  }
0xdb: {  	v13 =	vld [tilespmem:s23+$0xE200]  }
0xdc: {  	v14 =	vld [tilespmem:s23+$0xE400]  }
0xdd: {  	v15 =	vld [tilespmem:s23+$0xE600]  }
0xde: {  	v16 =	vld [tilespmem:s23+$0xE800]  }
0xdf: {  	v17 =	vld [tilespmem:s23+$0xEA00]  }
0xe0: {  	v18 =	vld [tilespmem:s23+$0xEC00]  }
0xe1: {  	v19 =	vld [tilespmem:s23+$0xEE00]  }
0xe2: {  	v20 =	vld [tilespmem:s23+$0xF000]  }
0xe3: {  	v21 =	vld [tilespmem:s23+$0xF200]  }
0xe4: {  	v0 =	vadd.f32 v0, v1;
	v1 =	vadd.f32 v3, v2;
	v2 =	vld [tilespmem:s23+$0xF400]  }
0xe5: {  	v3 =	vadd.f32 v5, v4;
	v4 =	vadd.f32 v7, v6;
	v5 =	vld [tilespmem:s23+$0xF600]  }
0xe6: {  	v6 =	vadd.f32 v11, v10;
	v10 =	vadd.f32 v17, v16  }
0xe7: {  	v7 =	vld [tilespmem:$0x19200];
	v11 =	vadd.f32 v19, v18;
	v0 =	vadd.f32 v1, v0  }
0xe8: {  	v1 =	vadd.f32 v4, v3;
	v3 =	vld [tilespmem:s23+$0xF800];
	v4 =	vadd.f32 v9, v8  }
0xe9: {  	v8 =	vadd.f32 v13, v12;
	v9 =	vadd.f32 v15, v14  }
0xea: {  	v12 =	vadd.f32 v21, v20;
	v2 =	vadd.f32 v5, v2  }
0xeb: {  	v4 =	vadd.f32 v6, v4;
	v6 =	vadd.f32 v11, v10  }
0xec: {  	v5 =	vadd.f32 v9, v8;
	v2 =	vadd.f32 v2, v12  }
0xed: {  	v0 =	vadd.f32 v1, v0;
	v3 =	vadd.f32 v7, v3  }
0xee: {  	v1 =	vadd.f32 v5, v4;
	v2 =	vadd.f32 v2, v6;
	_ =	sdelay $0x1  }
0xef: {  	v0 =	vadd.f32 v1, v0;
	v1 =	vadd.f32 v3, v2;
	_ =	sdelay $0x1  }
0xf0: {  	v0 =	vadd.f32 v1, v0  }
0xf1: {  	s31 =	simm.s32 $0x10;
	s23 =	simm.s32 $0x19000  }
0xf2: {  	s26 =	sand.u32 $0x1F0, s31;
	[tilespmem:s23+$0x0] =	vst v0  }
0xf3: {  	s24 =	simm.s32 $0xC810;
	v14 =	vld [tilespmem:s26+$0xCA00]  }
0xf4: {  	v15 =	vld [tilespmem:s24+$0x0]  }
0xf5: {  	v16 =	vld [tilespmem:s26+$0xCC00]  }
0xf6: {  	v17 =	vld [tilespmem:s26+$0xCE00]  }
0xf7: {  	v18 =	vld [tilespmem:s26+$0xD000]  }
0xf8: {  	v19 =	vld [tilespmem:s26+$0xD200]  }
0xf9: {  	v20 =	vld [tilespmem:s26+$0xD400]  }
0xfa: {  	v63 =	vld [tilespmem:s26+$0xD600]  }
0xfb: {  	v0 =	vld [tilespmem:s26+$0xD800]  }
0xfc: {  	v1 =	vld [tilespmem:s26+$0xDA00]  }
0xfd: {  	v2 =	vld [tilespmem:s26+$0xDC00]  }
0xfe: {  	v4 =	vld [tilespmem:s26+$0xDE00]  }
0xff: {  	v3 =	vld [tilespmem:s26+$0xE000]  }
0x100: {  	v5 =	vld [tilespmem:s26+$0xE200]  }
0x101: {  	v6 =	vld [tilespmem:s26+$0xE400]  }
0x102: {  	v7 =	vld [tilespmem:s26+$0xE600]  }
0x103: {  	v8 =	vld [tilespmem:s26+$0xE800]  }
0x104: {  	v9 =	vld [tilespmem:s26+$0xEA00]  }
0x105: {  	v10 =	vld [tilespmem:s26+$0xEC00]  }
0x106: {  	v11 =	vld [tilespmem:s26+$0xEE00]  }
0x107: {  	v12 =	vld [tilespmem:s26+$0xF000]  }
0x108: {  	v13 =	vld [tilespmem:s26+$0xF200];
	v15 =	vadd.f32 v14, v15;
	v16 =	vadd.f32 v17, v16  }
0x109: {  	s25 =	simm.s32 $0x20;
	v14 =	vld [tilespmem:s26+$0xF400];
	v17 =	vadd.f32 v19, v18;
	v18 =	vadd.f32 v63, v20  }
.LBB2_8:
0x10a: {  	p0 =	sne.s32 s25, $0x1F0;
	v19 =	vld [tilespmem:s26+$0xF600]  }
0x10b: {  	v15 =	vadd.f32 v16, v15;
	v16 =	vadd.f32 v18, v17  }
0x10c: {  	v0 =	vadd.f32 v1, v0;
	v1 =	vadd.f32 v4, v2;
	v17 =	vld [tilespmem:s26+$0xF800]  }
0x10d: {  	v3 =	vadd.f32 v5, v3;
	v4 =	vadd.f32 v7, v6;
	v2 =	vld [tilespmem:$0x19200]  }
0x10e: {  	v5 =	vadd.f32 v9, v8;
	v6 =	vadd.f32 v11, v10  }
0x10f: {  	v7 =	vadd.f32 v13, v12;
	v8 =	vadd.f32 v19, v14  }
0x110: {  	v0 =	vadd.f32 v1, v0;
	v1 =	vadd.f32 v4, v3  }
0x111: {  	v3 =	vadd.f32 v6, v5;
	v4 =	vadd.f32 v8, v7  }
0x112: {  	v5 =	vadd.f32 v16, v15;
	v2 =	vadd.f32 v2, v17  }
0x113: {  	v0 =	vadd.f32 v1, v0;
	v1 =	vadd.f32 v4, v3;
	_ =	sdelay $0x1  }
0x114: {  	v0 =	vadd.f32 v0, v5;
	v1 =	vadd.f32 v2, v1;
	_ =	sdelay $0x1  }
0x115: {  	v0 =	vadd.f32 v1, v0  }
0x116: {  	s23 =	sadd.s32 $0x10, s23  }
0x117: {  	s26 =	sand.u32 $0x1F0, s25;
	[tilespmem:s23+$0x0] =	vst v0  }
0x118: {  	s24 =	sadd.s32 $0x10, s24;
	v14 =	vld [tilespmem:s26+$0xCA00]  }
0x119: {  	v15 =	vld [tilespmem:s24+$0x0]  }
0x11a: {  	v16 =	vld [tilespmem:s26+$0xCC00]  }
0x11b: {  	v17 =	vld [tilespmem:s26+$0xCE00]  }
0x11c: {  	v18 =	vld [tilespmem:s26+$0xD000]  }
0x11d: {  	v19 =	vld [tilespmem:s26+$0xD200]  }
0x11e: {  	v20 =	vld [tilespmem:s26+$0xD400]  }
0x11f: {  	v21 =	vld [tilespmem:s26+$0xD600]  }
0x120: {  	v0 =	vld [tilespmem:s26+$0xD800]  }
0x121: {  	v1 =	vld [tilespmem:s26+$0xDA00]  }
0x122: {  	v2 =	vld [tilespmem:s26+$0xDC00]  }
0x123: {  	v4 =	vld [tilespmem:s26+$0xDE00]  }
0x124: {  	v3 =	vld [tilespmem:s26+$0xE000]  }
0x125: {  	v5 =	vld [tilespmem:s26+$0xE200]  }
0x126: {  	v6 =	vld [tilespmem:s26+$0xE400]  }
0x127: {  	v7 =	vld [tilespmem:s26+$0xE600]  }
0x128: {  	v8 =	vld [tilespmem:s26+$0xE800]  }
0x129: {  	v9 =	vld [tilespmem:s26+$0xEA00]  }
.Ltmp3:
0x12a: {  	v10 =	vld [tilespmem:s26+$0xEC00];
	(pc) =	sbr.rel @p0 .LBB2_8-.Ltmp3, $4  }
0x12b: {  	v11 =	vld [tilespmem:s26+$0xEE00]  }
0x12c: {  	v12 =	vld [tilespmem:s26+$0xF000]  }
0x12d: {  	v15 =	vadd.f32 v14, v15;
	v16 =	vadd.f32 v17, v16;
	v13 =	vld [tilespmem:s26+$0xF200]  }
0x12e: {  	s25 =	sadd.s32 $0x10, s25;
	v17 =	vadd.f32 v19, v18;
	v18 =	vadd.f32 v21, v20;
	v14 =	vld [tilespmem:s26+$0xF400]  }
0x12f: {  	v19 =	vld [tilespmem:s26+$0xF600]  }
0x130: {  	v15 =	vadd.f32 v16, v15;
	v0 =	vadd.f32 v1, v0  }
0x131: {  	v52 =	vadd.f32 v4, v2;
	v3 =	vadd.f32 v5, v3  }
0x132: {  	v51 =	vld [tilespmem:s26+$0xF800];
	v54 =	vadd.f32 v7, v6;
	v55 =	vadd.f32 v9, v8  }
0x133: {  	v53 =	vld [tilespmem:$0x19200];
	v50 =	vadd.f32 v18, v17;
	v56 =	vadd.f32 v11, v10  }
0x134: {  	v57 =	vadd.f32 v13, v12;
	v58 =	vadd.f32 v19, v14  }
0x135: {  	v0 =	vadd.f32 v52, v0;
	v59 =	vadd.f32 v54, v3  }
0x136: {  	v60 =	vadd.f32 v56, v55;
	v61 =	vadd.f32 v58, v57  }
0x137: {  	v62 =	vadd.f32 v50, v15;
	v0 =	vadd.f32 v59, v0  }
0x138: {  	v2 =	vadd.f32 v53, v51;
	v63 =	vadd.f32 v61, v60;
	_ =	sdelay $0x1  }
0x139: {  	v0 =	vadd.f32 v0, v62;
	v1 =	vadd.f32 v2, v63;
	_ =	sdelay $0x1  }
0x13a: {  	v0 =	vadd.f32 v1, v0  }
0x13b: {  	s23 =	sadd.s32 $0x10, s23  }
0x13c: {  	[tilespmem:s23+$0x0] =	vst v0  }
0x13d: {  	_ =	swait.ge [sflag:s12], $0x200  }
0x13e: {  	[sflag:s12] =	ssyncset.done $0x0  }
0x13f: {  	[sflag:s12] =	ssyncadd.s32 $0xFFFFFE00  }
0x140: {  	_ =	swait.ge [sflag:s12], $0x200  }
0x141: {  	[sflag:s12] =	ssyncset.done $0x0  }
0x142: {  	[sflag:s12] =	ssyncadd.s32 $0xFFFFFE00  }
0x143: {  	_ =	swait.ge [sflag:s12], $0x200  }
0x144: {  	[sflag:s12] =	ssyncset.done $0x0  }
0x145: {  	[sflag:s12] =	ssyncadd.s32 $0xFFFFFE00  }
0x146: {  	_ =	swait.ge [sflag:s12], $0x200  }
0x147: {  	[sflag:s12] =	ssyncset.done $0x0  }
0x148: {  	[sflag:s12] =	ssyncadd.s32 $0xFFFFFE00  }
0x149: {  	_ =	swait.ge [sflag:s12], $0x200  }
0x14a: {  	[sflag:s12] =	ssyncset.done $0x0  }
0x14b: {  	[sflag:s12] =	ssyncadd.s32 $0xFFFFFE00  }
0x14c: {  	_ =	swait.ge [sflag:s12], $0x200  }
0x14d: {  	[sflag:s12] =	ssyncset.done $0x0  }
0x14e: {  	[sflag:s12] =	ssyncadd.s32 $0xFFFFFE00  }
0x14f: {  	_ =	swait.ge [sflag:s12], $0x200  }
0x150: {  	[sflag:s12] =	ssyncset.done $0x0  }
0x151: {  	[sflag:s12] =	ssyncadd.s32 $0xFFFFFE00  }
0x152: {  	_ =	swait.ge [sflag:s12], $0x200  }
0x153: {  	[sflag:s12] =	ssyncset.done $0x0  }
0x154: {  	[sflag:s12] =	ssyncadd.s32 $0xFFFFFE00  }
0x155: {  	_ =	swait.ge [sflag:s12], $0x200  }
0x156: {  	[sflag:s12] =	ssyncset.done $0x0  }
0x157: {  	[sflag:s12] =	ssyncadd.s32 $0xFFFFFE00  }
0x158: {  	_ =	swait.ge [sflag:s12], $0x200  }
0x159: {  	[sflag:s12] =	ssyncset.done $0x0  }
0x15a: {  	[sflag:s12] =	ssyncadd.s32 $0xFFFFFE00  }
0x15b: {  	_ =	swait.ge [sflag:s12], $0x200  }
0x15c: {  	[sflag:s12] =	ssyncset.done $0x0  }
0x15d: {  	[sflag:s12] =	ssyncadd.s32 $0xFFFFFE00  }
0x15e: {  	_ =	swait.ge [sflag:s12], $0x200  }
0x15f: {  	[sflag:s12] =	ssyncset.done $0x0  }
0x160: {  	[sflag:s12] =	ssyncadd.s32 $0xFFFFFE00  }
0x161: {  	_ =	swait.ge [sflag:s12], $0x200  }
0x162: {  	[sflag:s12] =	ssyncset.done $0x0  }
0x163: {  	[sflag:s12] =	ssyncadd.s32 $0xFFFFFE00  }
0x164: {  	_ =	swait.ge [sflag:s12], $0x200  }
0x165: {  	[sflag:s12] =	ssyncset.done $0x0  }
0x166: {  	[sflag:s12] =	ssyncadd.s32 $0xFFFFFE00  }
0x167: {  	_ =	swait.ge [sflag:s12], $0x200  }
0x168: {  	[sflag:s12] =	ssyncset.done $0x0  }
0x169: {  	[sflag:s12] =	ssyncadd.s32 $0xFFFFFE00  }
0x16a: {  	_ =	swait.ge [sflag:s12], $0x200  }
0x16b: {  	[sflag:s12] =	ssyncset.done $0x0  }
0x16c: {  	[sflag:s12] =	ssyncadd.s32 $0xFFFFFE00  }
0x16d: {  	_ =	swait.ge [sflag:s12], $0x200  }
0x16e: {  	[sflag:s12] =	ssyncset.done $0x0  }
0x16f: {  	[sflag:s12] =	ssyncadd.s32 $0xFFFFFE00  }
0x170: {  	_ =	swait.ge [sflag:s12], $0x200  }
0x171: {  	[sflag:s12] =	ssyncset.done $0x0  }
0x172: {  	[sflag:s12] =	ssyncadd.s32 $0xFFFFFE00  }
0x173: {  	_ =	swait.ge [sflag:s12], $0x200  }
0x174: {  	[sflag:s12] =	ssyncset.done $0x0  }
0x175: {  	[sflag:s12] =	ssyncadd.s32 $0xFFFFFE00  }
0x176: {  	_ =	swait.ge [sflag:s12], $0x200  }
0x177: {  	[sflag:s12] =	ssyncset.done $0x0  }
0x178: {  	[sflag:s12] =	ssyncadd.s32 $0xFFFFFE00  }
0x179: {  	_ =	swait.ge [sflag:s12], $0x200  }
0x17a: {  	[sflag:s12] =	ssyncset.done $0x0  }
0x17b: {  	[sflag:s12] =	ssyncadd.s32 $0xFFFFFE00  }
0x17c: {  	_ =	swait.ge [sflag:s12], $0x200  }
0x17d: {  	[sflag:s12] =	ssyncset.done $0x0  }
0x17e: {  	[sflag:s12] =	ssyncadd.s32 $0xFFFFFE00  }
0x17f: {  	_ =	swait.ge [sflag:s12], $0x200  }
0x180: {  	[sflag:s12] =	ssyncset.done $0x0  }
0x181: {  	[sflag:s12] =	ssyncadd.s32 $0xFFFFFE00  }
0x182: {  	_ =	swait.ge [sflag:s12], $0x200  }
0x183: {  	[sflag:s12] =	ssyncset.done $0x0  }
0x184: {  	[sflag:s12] =	ssyncadd.s32 $0xFFFFFE00  }
0x185: {  	s24 =	simm.s32 $0x25800;
	s23 =	simm.s32 $0x4B0;
	_ =	swait.ge [sflag:s12], $0x200  }
0x186: {  	s24 =	sand.u32 $0x3C000, s24;
	s25 =	sand.u32 $0x70, s23;
	[sflag:s12] =	ssyncset.done $0x0  }
0x187: {  	s24 =	sor.u32 s25, s24;
	[sflag:s12] =	ssyncadd.s32 $0xFFFFFE00  }
0x188: {  	[tilespmem:s17], [sflag:$0x2] =	stream.indirect.gather [hbm4b:s1+s13], $0x1, s16, s13, $0xb8;
	[tilespmem:$0x19280] =	vst v63  }
0x189: {  	s31 =	simm.s32 $0x9600;
	s24 =	sadd.s32 s24, s5  }
0x18a: {  	[tilespmem:s31], [sflag:$0x1] =	stream.strided.gather [hbm4b:s24+s8], $0x200, s9, s8, $0x38;
	[tilespmem:$0x19280] =	vst v63  }
0x18b: {  	s24 =	simm.s32 $0x26000  }
.LBB2_10:
0x18c: {  	s25 =	sand.u32 $0x3C000, s24;
	p0 =	sne.s32 s24, $0x31800  }
.Ltmp4:
0x18d: {  	s23 =	sadd.s32 $0x10, s23;
	s26 =	smov.u32 s24;
	(pc) =	sbr.rel @p0 .LBB2_10-.Ltmp4, $4  }
0x18e: {  	s24 =	sadd.s32 $0x800, s24;
	s28 =	sand.u32 $0x70, s23  }
0x18f: {  	s25 =	sor.u32 s28, s25  }
0x190: {  	s26 =	sshra.s32 s26, $0x2;
	s25 =	sadd.s32 s25, s5  }
0x191: {  	[tilespmem:s26], [sflag:$0x1] =	stream.strided.gather [hbm4b:s25+s8], $0x200, s9, s8, $0x38;
	[tilespmem:$0x19280] =	vst v63  }
0x192: {  	_ =	swait.ge [sflag:s18], $0x3200  }
0x193: {  	s23 =	simm.s32 $0x0;
	[sflag:s18] =	ssyncset.done $0x0  }
0x194: {  	s24 =	sand.u32 $0x1F0, s23;
	[sflag:s18] =	ssyncadd.s32 $0xFFFFCE00  }
0x195: {  	v0 =	vld [tilespmem:s24+$0xFC00]  }
0x196: {  	v1 =	vld [tilespmem:s24+$0xFA00]  }
0x197: {  	v2 =	vld [tilespmem:s24+$0xFE00]  }
0x198: {  	v3 =	vld [tilespmem:s24+$0x10000]  }
0x199: {  	v4 =	vld [tilespmem:s24+$0x10200]  }
0x19a: {  	v5 =	vld [tilespmem:s24+$0x10400]  }
0x19b: {  	v6 =	vld [tilespmem:s24+$0x10600]  }
0x19c: {  	v7 =	vld [tilespmem:s24+$0x10800]  }
0x19d: {  	v8 =	vld [tilespmem:s24+$0x10A00]  }
0x19e: {  	v9 =	vld [tilespmem:s24+$0x10C00]  }
0x19f: {  	v10 =	vld [tilespmem:s24+$0x10E00]  }
0x1a0: {  	v11 =	vld [tilespmem:s24+$0x11000]  }
0x1a1: {  	v12 =	vld [tilespmem:s24+$0x11200]  }
0x1a2: {  	v13 =	vld [tilespmem:s24+$0x11400]  }
0x1a3: {  	v14 =	vld [tilespmem:s24+$0x11600]  }
0x1a4: {  	v15 =	vld [tilespmem:s24+$0x11800]  }
0x1a5: {  	v16 =	vld [tilespmem:s24+$0x11A00]  }
0x1a6: {  	v17 =	vld [tilespmem:s24+$0x11C00]  }
0x1a7: {  	v18 =	vld [tilespmem:s24+$0x11E00]  }
0x1a8: {  	v19 =	vld [tilespmem:s24+$0x12000]  }
0x1a9: {  	v20 =	vld [tilespmem:s24+$0x12200]  }
0x1aa: {  	v21 =	vld [tilespmem:s24+$0x12400]  }
0x1ab: {  	v0 =	vadd.f32 v0, v1;
	v1 =	vadd.f32 v3, v2;
	v2 =	vld [tilespmem:s24+$0x12600]  }
0x1ac: {  	v3 =	vadd.f32 v5, v4;
	v4 =	vadd.f32 v7, v6;
	v5 =	vld [tilespmem:s24+$0x12800]  }
0x1ad: {  	s23 =	simm.s32 $0x19000;
	v6 =	vadd.f32 v11, v10;
	v10 =	vadd.f32 v17, v16  }
0x1ae: {  	v7 =	vld [tilespmem:s23+$0x0];
	v11 =	vadd.f32 v19, v18;
	v0 =	vadd.f32 v1, v0  }
0x1af: {  	v1 =	vadd.f32 v4, v3;
	v3 =	vld [tilespmem:s24+$0x12A00];
	v4 =	vadd.f32 v9, v8  }
0x1b0: {  	v8 =	vadd.f32 v13, v12;
	v9 =	vadd.f32 v15, v14  }
0x1b1: {  	v12 =	vadd.f32 v21, v20;
	v2 =	vadd.f32 v5, v2  }
0x1b2: {  	v4 =	vadd.f32 v6, v4;
	v6 =	vadd.f32 v11, v10  }
0x1b3: {  	v5 =	vadd.f32 v9, v8;
	v2 =	vadd.f32 v2, v12  }
0x1b4: {  	v0 =	vadd.f32 v1, v0;
	v3 =	vadd.f32 v7, v3  }
0x1b5: {  	v1 =	vadd.f32 v5, v4;
	v2 =	vadd.f32 v2, v6;
	_ =	sdelay $0x1  }
0x1b6: {  	v0 =	vadd.f32 v1, v0;
	v1 =	vadd.f32 v3, v2;
	_ =	sdelay $0x1  }
0x1b7: {  	v0 =	vadd.f32 v1, v0  }
0x1b8: {  	s31 =	simm.s32 $0x10  }
0x1b9: {  	s25 =	sand.u32 $0x1F0, s31;
	[tilespmem:s23+$0x0] =	vst v0  }
0x1ba: {  	v14 =	vld [tilespmem:s25+$0xFC00]  }
0x1bb: {  	v15 =	vld [tilespmem:s25+$0xFA00]  }
0x1bc: {  	v16 =	vld [tilespmem:s25+$0xFE00]  }
0x1bd: {  	v17 =	vld [tilespmem:s25+$0x10000]  }
0x1be: {  	v18 =	vld [tilespmem:s25+$0x10200]  }
0x1bf: {  	v19 =	vld [tilespmem:s25+$0x10400]  }
0x1c0: {  	v20 =	vld [tilespmem:s25+$0x10600]  }
0x1c1: {  	v63 =	vld [tilespmem:s25+$0x10800]  }
0x1c2: {  	v0 =	vld [tilespmem:s25+$0x10A00]  }
0x1c3: {  	v1 =	vld [tilespmem:s25+$0x10C00]  }
0x1c4: {  	v3 =	vld [tilespmem:s25+$0x10E00]  }
0x1c5: {  	v5 =	vld [tilespmem:s25+$0x11000]  }
0x1c6: {  	v2 =	vld [tilespmem:s25+$0x11200]  }
0x1c7: {  	v4 =	vld [tilespmem:s25+$0x11400]  }
0x1c8: {  	v6 =	vld [tilespmem:s25+$0x11600]  }
0x1c9: {  	v7 =	vld [tilespmem:s25+$0x11800]  }
0x1ca: {  	v8 =	vld [tilespmem:s25+$0x11A00]  }
0x1cb: {  	v9 =	vld [tilespmem:s25+$0x11C00]  }
0x1cc: {  	v10 =	vld [tilespmem:s25+$0x11E00]  }
0x1cd: {  	v11 =	vld [tilespmem:s25+$0x12000]  }
0x1ce: {  	v12 =	vld [tilespmem:s25+$0x12200]  }
0x1cf: {  	v13 =	vld [tilespmem:s25+$0x12400];
	v15 =	vadd.f32 v14, v15;
	v16 =	vadd.f32 v17, v16  }
0x1d0: {  	s24 =	simm.s32 $0x20;
	v14 =	vld [tilespmem:s25+$0x12600];
	v17 =	vadd.f32 v19, v18;
	v18 =	vadd.f32 v63, v20  }
.LBB2_12:
0x1d1: {  	p0 =	sne.s32 s24, $0x1F0;
	v19 =	vld [tilespmem:s25+$0x12800]  }
0x1d2: {  	v15 =	vadd.f32 v16, v15;
	v16 =	vadd.f32 v18, v17  }
0x1d3: {  	v0 =	vadd.f32 v1, v0;
	v1 =	vadd.f32 v5, v3;
	s23 =	sadd.s32 $0x10, s23;
	v17 =	vld [tilespmem:s25+$0x12A00]  }
0x1d4: {  	v2 =	vadd.f32 v4, v2;
	v4 =	vadd.f32 v7, v6;
	v3 =	vld [tilespmem:s23+$0x0]  }
0x1d5: {  	v5 =	vadd.f32 v9, v8;
	v6 =	vadd.f32 v11, v10  }
0x1d6: {  	v7 =	vadd.f32 v13, v12;
	v8 =	vadd.f32 v19, v14  }
0x1d7: {  	v0 =	vadd.f32 v1, v0;
	v1 =	vadd.f32 v4, v2  }
0x1d8: {  	v2 =	vadd.f32 v6, v5;
	v4 =	vadd.f32 v8, v7  }
0x1d9: {  	v5 =	vadd.f32 v16, v15;
	v3 =	vadd.f32 v3, v17  }
0x1da: {  	v0 =	vadd.f32 v1, v0;
	v1 =	vadd.f32 v4, v2;
	_ =	sdelay $0x1  }
0x1db: {  	v0 =	vadd.f32 v0, v5;
	v1 =	vadd.f32 v3, v1;
	_ =	sdelay $0x1  }
0x1dc: {  	v0 =	vadd.f32 v1, v0;
	_ =	sdelay $0x1  }
0x1dd: {  	s25 =	sand.u32 $0x1F0, s24;
	[tilespmem:s23+$0x0] =	vst v0  }
0x1de: {  	v14 =	vld [tilespmem:s25+$0xFC00]  }
0x1df: {  	v15 =	vld [tilespmem:s25+$0xFA00]  }
0x1e0: {  	v16 =	vld [tilespmem:s25+$0xFE00]  }
0x1e1: {  	v17 =	vld [tilespmem:s25+$0x10000]  }
0x1e2: {  	v18 =	vld [tilespmem:s25+$0x10200]  }
0x1e3: {  	v19 =	vld [tilespmem:s25+$0x10400]  }
0x1e4: {  	v20 =	vld [tilespmem:s25+$0x10600]  }
0x1e5: {  	v21 =	vld [tilespmem:s25+$0x10800]  }
0x1e6: {  	v0 =	vld [tilespmem:s25+$0x10A00]  }
0x1e7: {  	v1 =	vld [tilespmem:s25+$0x10C00]  }
0x1e8: {  	v3 =	vld [tilespmem:s25+$0x10E00]  }
0x1e9: {  	v5 =	vld [tilespmem:s25+$0x11000]  }
0x1ea: {  	v2 =	vld [tilespmem:s25+$0x11200]  }
0x1eb: {  	v4 =	vld [tilespmem:s25+$0x11400]  }
0x1ec: {  	v6 =	vld [tilespmem:s25+$0x11600]  }
0x1ed: {  	v7 =	vld [tilespmem:s25+$0x11800]  }
0x1ee: {  	v8 =	vld [tilespmem:s25+$0x11A00]  }
0x1ef: {  	v9 =	vld [tilespmem:s25+$0x11C00]  }
.Ltmp5:
0x1f0: {  	v10 =	vld [tilespmem:s25+$0x11E00];
	(pc) =	sbr.rel @p0 .LBB2_12-.Ltmp5, $4  }
0x1f1: {  	v11 =	vld [tilespmem:s25+$0x12000]  }
0x1f2: {  	v12 =	vld [tilespmem:s25+$0x12200]  }
0x1f3: {  	v15 =	vadd.f32 v14, v15;
	v16 =	vadd.f32 v17, v16;
	v13 =	vld [tilespmem:s25+$0x12400]  }
0x1f4: {  	s24 =	sadd.s32 $0x10, s24;
	v17 =	vadd.f32 v19, v18;
	v18 =	vadd.f32 v21, v20;
	v14 =	vld [tilespmem:s25+$0x12600]  }
0x1f5: {  	v19 =	vld [tilespmem:s25+$0x12800]  }
0x1f6: {  	v15 =	vadd.f32 v16, v15;
	v0 =	vadd.f32 v1, v0  }
0x1f7: {  	v1 =	vadd.f32 v5, v3;
	v2 =	vadd.f32 v4, v2  }
0x1f8: {  	s23 =	sadd.s32 $0x10, s23;
	v4 =	vadd.f32 v7, v6;
	v16 =	vadd.f32 v18, v17;
	v17 =	vld [tilespmem:s25+$0x12A00]  }
0x1f9: {  	v5 =	vadd.f32 v9, v8;
	v3 =	vld [tilespmem:s23+$0x0];
	v6 =	vadd.f32 v11, v10  }
0x1fa: {  	v7 =	vadd.f32 v13, v12;
	v8 =	vadd.f32 v19, v14  }
0x1fb: {  	v0 =	vadd.f32 v1, v0;
	v1 =	vadd.f32 v4, v2  }
0x1fc: {  	v2 =	vadd.f32 v6, v5;
	v4 =	vadd.f32 v8, v7  }
0x1fd: {  	v5 =	vadd.f32 v16, v15;
	v0 =	vadd.f32 v1, v0  }
0x1fe: {  	v3 =	vadd.f32 v3, v17;
	v1 =	vadd.f32 v4, v2;
	_ =	sdelay $0x1  }
0x1ff: {  	v0 =	vadd.f32 v0, v5;
	v1 =	vadd.f32 v3, v1;
	_ =	sdelay $0x1  }
0x200: {  	v0 =	vadd.f32 v1, v0;
	_ =	sdelay $0x1  }
0x201: {  	[tilespmem:s23+$0x0] =	vst v0  }
0x202: {  	_ =	swait.ge [sflag:s12], $0x200  }
0x203: {  	[sflag:s12] =	ssyncset.done $0x0  }
0x204: {  	[sflag:s12] =	ssyncadd.s32 $0xFFFFFE00  }
0x205: {  	_ =	swait.ge [sflag:s12], $0x200  }
0x206: {  	[sflag:s12] =	ssyncset.done $0x0  }
0x207: {  	[sflag:s12] =	ssyncadd.s32 $0xFFFFFE00  }
0x208: {  	_ =	swait.ge [sflag:s12], $0x200  }
0x209: {  	[sflag:s12] =	ssyncset.done $0x0  }
0x20a: {  	[sflag:s12] =	ssyncadd.s32 $0xFFFFFE00  }
0x20b: {  	_ =	swait.ge [sflag:s12], $0x200  }
0x20c: {  	[sflag:s12] =	ssyncset.done $0x0  }
0x20d: {  	[sflag:s12] =	ssyncadd.s32 $0xFFFFFE00  }
0x20e: {  	_ =	swait.ge [sflag:s12], $0x200  }
0x20f: {  	[sflag:s12] =	ssyncset.done $0x0  }
0x210: {  	[sflag:s12] =	ssyncadd.s32 $0xFFFFFE00  }
0x211: {  	_ =	swait.ge [sflag:s12], $0x200  }
0x212: {  	[sflag:s12] =	ssyncset.done $0x0  }
0x213: {  	[sflag:s12] =	ssyncadd.s32 $0xFFFFFE00  }
0x214: {  	_ =	swait.ge [sflag:s12], $0x200  }
0x215: {  	[sflag:s12] =	ssyncset.done $0x0  }
0x216: {  	[sflag:s12] =	ssyncadd.s32 $0xFFFFFE00  }
0x217: {  	_ =	swait.ge [sflag:s12], $0x200  }
0x218: {  	[sflag:s12] =	ssyncset.done $0x0  }
0x219: {  	[sflag:s12] =	ssyncadd.s32 $0xFFFFFE00  }
0x21a: {  	_ =	swait.ge [sflag:s12], $0x200  }
0x21b: {  	[sflag:s12] =	ssyncset.done $0x0  }
0x21c: {  	[sflag:s12] =	ssyncadd.s32 $0xFFFFFE00  }
0x21d: {  	_ =	swait.ge [sflag:s12], $0x200  }
0x21e: {  	[sflag:s12] =	ssyncset.done $0x0  }
0x21f: {  	[sflag:s12] =	ssyncadd.s32 $0xFFFFFE00  }
0x220: {  	_ =	swait.ge [sflag:s12], $0x200  }
0x221: {  	[sflag:s12] =	ssyncset.done $0x0  }
0x222: {  	[sflag:s12] =	ssyncadd.s32 $0xFFFFFE00  }
0x223: {  	_ =	swait.ge [sflag:s12], $0x200  }
0x224: {  	[sflag:s12] =	ssyncset.done $0x0  }
0x225: {  	[sflag:s12] =	ssyncadd.s32 $0xFFFFFE00  }
0x226: {  	_ =	swait.ge [sflag:s12], $0x200  }
0x227: {  	[sflag:s12] =	ssyncset.done $0x0  }
0x228: {  	[sflag:s12] =	ssyncadd.s32 $0xFFFFFE00  }
0x229: {  	_ =	swait.ge [sflag:s12], $0x200  }
0x22a: {  	[sflag:s12] =	ssyncset.done $0x0  }
0x22b: {  	[sflag:s12] =	ssyncadd.s32 $0xFFFFFE00  }
0x22c: {  	_ =	swait.ge [sflag:s12], $0x200  }
0x22d: {  	[sflag:s12] =	ssyncset.done $0x0  }
0x22e: {  	[sflag:s12] =	ssyncadd.s32 $0xFFFFFE00  }
0x22f: {  	_ =	swait.ge [sflag:s12], $0x200  }
0x230: {  	[sflag:s12] =	ssyncset.done $0x0  }
0x231: {  	[sflag:s12] =	ssyncadd.s32 $0xFFFFFE00  }
0x232: {  	_ =	swait.ge [sflag:s12], $0x200  }
0x233: {  	[sflag:s12] =	ssyncset.done $0x0  }
0x234: {  	[sflag:s12] =	ssyncadd.s32 $0xFFFFFE00  }
0x235: {  	_ =	swait.ge [sflag:s12], $0x200  }
0x236: {  	[sflag:s12] =	ssyncset.done $0x0  }
0x237: {  	[sflag:s12] =	ssyncadd.s32 $0xFFFFFE00  }
0x238: {  	_ =	swait.ge [sflag:s12], $0x200  }
0x239: {  	[sflag:s12] =	ssyncset.done $0x0  }
0x23a: {  	[sflag:s12] =	ssyncadd.s32 $0xFFFFFE00  }
0x23b: {  	_ =	swait.ge [sflag:s12], $0x200  }
0x23c: {  	[sflag:s12] =	ssyncset.done $0x0  }
0x23d: {  	[sflag:s12] =	ssyncadd.s32 $0xFFFFFE00  }
0x23e: {  	_ =	swait.ge [sflag:s12], $0x200  }
0x23f: {  	[sflag:s12] =	ssyncset.done $0x0  }
0x240: {  	[sflag:s12] =	ssyncadd.s32 $0xFFFFFE00  }
0x241: {  	_ =	swait.ge [sflag:s12], $0x200  }
0x242: {  	[sflag:s12] =	ssyncset.done $0x0  }
0x243: {  	[sflag:s12] =	ssyncadd.s32 $0xFFFFFE00  }
0x244: {  	_ =	swait.ge [sflag:s12], $0x200  }
0x245: {  	[sflag:s12] =	ssyncset.done $0x0  }
0x246: {  	[sflag:s12] =	ssyncadd.s32 $0xFFFFFE00  }
0x247: {  	_ =	swait.ge [sflag:s12], $0x200  }
0x248: {  	[sflag:s12] =	ssyncset.done $0x0  }
0x249: {  	[sflag:s12] =	ssyncadd.s32 $0xFFFFFE00  }
0x24a: {  	_ =	swait.ge [sflag:s12], $0x200  }
0x24b: {  	[sflag:s12] =	ssyncset.done $0x0  }
0x24c: {  	[sflag:s12] =	ssyncadd.s32 $0xFFFFFE00  }
0x24d: {  	[tilespmem:s20], [sflag:$0x3] =	stream.indirect.gather [hbm4b:s1+s13], $0x1, s19, s13, $0xb8;
	[tilespmem:$0x19280] =	vst v63  }
0x24e: {  	_ =	swait.ge [sflag:s15], $0x3200  }
0x24f: {  	s30 =	simm.s32 $0x0;
	[sflag:s15] =	ssyncset.done $0x0  }
0x250: {  	s24 =	sand.u32 $0x1F0, s30;
	[sflag:s15] =	ssyncadd.s32 $0xFFFFCE00  }
0x251: {  	v0 =	vld [tilespmem:s24+$0x12E00]  }
0x252: {  	v1 =	vld [tilespmem:s24+$0x12C00]  }
0x253: {  	v2 =	vld [tilespmem:s24+$0x13000]  }
0x254: {  	v3 =	vld [tilespmem:s24+$0x13200]  }
0x255: {  	v4 =	vld [tilespmem:s24+$0x13400]  }
0x256: {  	v5 =	vld [tilespmem:s24+$0x13600]  }
0x257: {  	v6 =	vld [tilespmem:s24+$0x13800]  }
0x258: {  	v7 =	vld [tilespmem:s24+$0x13A00]  }
0x259: {  	v8 =	vld [tilespmem:s24+$0x13C00]  }
0x25a: {  	v9 =	vld [tilespmem:s24+$0x13E00]  }
0x25b: {  	v10 =	vld [tilespmem:s24+$0x14000]  }
0x25c: {  	v11 =	vld [tilespmem:s24+$0x14200]  }
0x25d: {  	v12 =	vld [tilespmem:s24+$0x14400]  }
0x25e: {  	v13 =	vld [tilespmem:s24+$0x14600]  }
0x25f: {  	v14 =	vld [tilespmem:s24+$0x14800]  }
0x260: {  	v15 =	vld [tilespmem:s24+$0x14A00]  }
0x261: {  	v16 =	vld [tilespmem:s24+$0x14C00]  }
0x262: {  	v17 =	vld [tilespmem:s24+$0x14E00]  }
0x263: {  	v18 =	vld [tilespmem:s24+$0x15000]  }
0x264: {  	v19 =	vld [tilespmem:s24+$0x15200]  }
0x265: {  	v20 =	vld [tilespmem:s24+$0x15400]  }
0x266: {  	v21 =	vld [tilespmem:s24+$0x15600]  }
0x267: {  	v0 =	vadd.f32 v0, v1;
	v1 =	vadd.f32 v3, v2;
	v2 =	vld [tilespmem:s24+$0x15800]  }
0x268: {  	v3 =	vadd.f32 v5, v4;
	v4 =	vadd.f32 v7, v6;
	v5 =	vld [tilespmem:s24+$0x15A00]  }
0x269: {  	s23 =	simm.s32 $0x19000;
	v6 =	vadd.f32 v11, v10;
	v10 =	vadd.f32 v17, v16  }
0x26a: {  	v7 =	vld [tilespmem:s23+$0x0];
	v11 =	vadd.f32 v19, v18;
	v0 =	vadd.f32 v1, v0  }
0x26b: {  	v1 =	vadd.f32 v4, v3;
	v3 =	vld [tilespmem:s24+$0x15C00];
	v4 =	vadd.f32 v9, v8  }
0x26c: {  	v8 =	vadd.f32 v13, v12;
	v9 =	vadd.f32 v15, v14  }
0x26d: {  	v12 =	vadd.f32 v21, v20;
	v2 =	vadd.f32 v5, v2  }
0x26e: {  	v4 =	vadd.f32 v6, v4;
	v6 =	vadd.f32 v11, v10  }
0x26f: {  	v5 =	vadd.f32 v9, v8;
	v2 =	vadd.f32 v2, v12  }
0x270: {  	v0 =	vadd.f32 v1, v0;
	v3 =	vadd.f32 v7, v3  }
0x271: {  	v1 =	vadd.f32 v5, v4;
	v2 =	vadd.f32 v2, v6;
	_ =	sdelay $0x1  }
0x272: {  	v0 =	vadd.f32 v1, v0;
	v1 =	vadd.f32 v3, v2;
	_ =	sdelay $0x1  }
0x273: {  	v0 =	vadd.f32 v1, v0  }
0x274: {  	s31 =	simm.s32 $0x10  }
0x275: {  	s25 =	sand.u32 $0x1F0, s31;
	[tilespmem:s23+$0x0] =	vst v0  }
0x276: {  	v14 =	vld [tilespmem:s25+$0x12E00]  }
0x277: {  	v15 =	vld [tilespmem:s25+$0x12C00]  }
0x278: {  	v16 =	vld [tilespmem:s25+$0x13000]  }
0x279: {  	v17 =	vld [tilespmem:s25+$0x13200]  }
0x27a: {  	v18 =	vld [tilespmem:s25+$0x13400]  }
0x27b: {  	v19 =	vld [tilespmem:s25+$0x13600]  }
0x27c: {  	v20 =	vld [tilespmem:s25+$0x13800]  }
0x27d: {  	v63 =	vld [tilespmem:s25+$0x13A00]  }
0x27e: {  	v0 =	vld [tilespmem:s25+$0x13C00]  }
0x27f: {  	v1 =	vld [tilespmem:s25+$0x13E00]  }
0x280: {  	v3 =	vld [tilespmem:s25+$0x14000]  }
0x281: {  	v5 =	vld [tilespmem:s25+$0x14200]  }
0x282: {  	v2 =	vld [tilespmem:s25+$0x14400]  }
0x283: {  	v4 =	vld [tilespmem:s25+$0x14600]  }
0x284: {  	v6 =	vld [tilespmem:s25+$0x14800]  }
0x285: {  	v7 =	vld [tilespmem:s25+$0x14A00]  }
0x286: {  	v8 =	vld [tilespmem:s25+$0x14C00]  }
0x287: {  	v9 =	vld [tilespmem:s25+$0x14E00]  }
0x288: {  	v10 =	vld [tilespmem:s25+$0x15000]  }
0x289: {  	v11 =	vld [tilespmem:s25+$0x15200]  }
0x28a: {  	v12 =	vld [tilespmem:s25+$0x15400]  }
0x28b: {  	v13 =	vld [tilespmem:s25+$0x15600];
	v15 =	vadd.f32 v14, v15;
	v16 =	vadd.f32 v17, v16  }
0x28c: {  	s24 =	simm.s32 $0x20;
	v14 =	vld [tilespmem:s25+$0x15800];
	v17 =	vadd.f32 v19, v18;
	v18 =	vadd.f32 v63, v20  }
.LBB2_14:
0x28d: {  	p0 =	sne.s32 s24, $0x1F0;
	v19 =	vld [tilespmem:s25+$0x15A00]  }
0x28e: {  	v15 =	vadd.f32 v16, v15;
	v16 =	vadd.f32 v18, v17  }
0x28f: {  	v0 =	vadd.f32 v1, v0;
	v1 =	vadd.f32 v5, v3;
	s23 =	sadd.s32 $0x10, s23;
	v17 =	vld [tilespmem:s25+$0x15C00]  }
0x290: {  	v2 =	vadd.f32 v4, v2;
	v4 =	vadd.f32 v7, v6;
	v3 =	vld [tilespmem:s23+$0x0]  }
0x291: {  	v5 =	vadd.f32 v9, v8;
	v6 =	vadd.f32 v11, v10  }
0x292: {  	v7 =	vadd.f32 v13, v12;
	v8 =	vadd.f32 v19, v14  }
0x293: {  	v0 =	vadd.f32 v1, v0;
	v1 =	vadd.f32 v4, v2  }
0x294: {  	v2 =	vadd.f32 v6, v5;
	v4 =	vadd.f32 v8, v7  }
0x295: {  	v5 =	vadd.f32 v16, v15;
	v3 =	vadd.f32 v3, v17  }
0x296: {  	v0 =	vadd.f32 v1, v0;
	v1 =	vadd.f32 v4, v2;
	_ =	sdelay $0x1  }
0x297: {  	v0 =	vadd.f32 v0, v5;
	v1 =	vadd.f32 v3, v1;
	_ =	sdelay $0x1  }
0x298: {  	v0 =	vadd.f32 v1, v0;
	_ =	sdelay $0x1  }
0x299: {  	s25 =	sand.u32 $0x1F0, s24;
	[tilespmem:s23+$0x0] =	vst v0  }
0x29a: {  	v14 =	vld [tilespmem:s25+$0x12E00]  }
0x29b: {  	v15 =	vld [tilespmem:s25+$0x12C00]  }
0x29c: {  	v16 =	vld [tilespmem:s25+$0x13000]  }
0x29d: {  	v17 =	vld [tilespmem:s25+$0x13200]  }
0x29e: {  	v18 =	vld [tilespmem:s25+$0x13400]  }
0x29f: {  	v19 =	vld [tilespmem:s25+$0x13600]  }
0x2a0: {  	v20 =	vld [tilespmem:s25+$0x13800]  }
0x2a1: {  	v21 =	vld [tilespmem:s25+$0x13A00]  }
0x2a2: {  	v0 =	vld [tilespmem:s25+$0x13C00]  }
0x2a3: {  	v1 =	vld [tilespmem:s25+$0x13E00]  }
0x2a4: {  	v3 =	vld [tilespmem:s25+$0x14000]  }
0x2a5: {  	v5 =	vld [tilespmem:s25+$0x14200]  }
0x2a6: {  	v2 =	vld [tilespmem:s25+$0x14400]  }
0x2a7: {  	v4 =	vld [tilespmem:s25+$0x14600]  }
0x2a8: {  	v6 =	vld [tilespmem:s25+$0x14800]  }
0x2a9: {  	v7 =	vld [tilespmem:s25+$0x14A00]  }
0x2aa: {  	v8 =	vld [tilespmem:s25+$0x14C00]  }
0x2ab: {  	v9 =	vld [tilespmem:s25+$0x14E00]  }
.Ltmp6:
0x2ac: {  	v10 =	vld [tilespmem:s25+$0x15000];
	(pc) =	sbr.rel @p0 .LBB2_14-.Ltmp6, $4  }
0x2ad: {  	v11 =	vld [tilespmem:s25+$0x15200]  }
0x2ae: {  	v12 =	vld [tilespmem:s25+$0x15400]  }
0x2af: {  	v15 =	vadd.f32 v14, v15;
	v16 =	vadd.f32 v17, v16;
	v13 =	vld [tilespmem:s25+$0x15600]  }
0x2b0: {  	s24 =	sadd.s32 $0x10, s24;
	v17 =	vadd.f32 v19, v18;
	v18 =	vadd.f32 v21, v20;
	v14 =	vld [tilespmem:s25+$0x15800]  }
0x2b1: {  	v19 =	vld [tilespmem:s25+$0x15A00]  }
0x2b2: {  	v15 =	vadd.f32 v16, v15;
	v0 =	vadd.f32 v1, v0  }
0x2b3: {  	v1 =	vadd.f32 v5, v3;
	v2 =	vadd.f32 v4, v2  }
0x2b4: {  	s23 =	sadd.s32 $0x10, s23;
	v4 =	vadd.f32 v7, v6;
	v16 =	vadd.f32 v18, v17;
	v17 =	vld [tilespmem:s25+$0x15C00]  }
0x2b5: {  	v5 =	vadd.f32 v9, v8;
	v3 =	vld [tilespmem:s23+$0x0];
	v6 =	vadd.f32 v11, v10  }
0x2b6: {  	v7 =	vadd.f32 v13, v12;
	v8 =	vadd.f32 v19, v14  }
0x2b7: {  	v0 =	vadd.f32 v1, v0;
	v1 =	vadd.f32 v4, v2  }
0x2b8: {  	v2 =	vadd.f32 v6, v5;
	v4 =	vadd.f32 v8, v7  }
0x2b9: {  	v5 =	vadd.f32 v16, v15;
	v0 =	vadd.f32 v1, v0  }
0x2ba: {  	v3 =	vadd.f32 v3, v17;
	v1 =	vadd.f32 v4, v2;
	_ =	sdelay $0x1  }
0x2bb: {  	v0 =	vadd.f32 v0, v5;
	v1 =	vadd.f32 v3, v1;
	_ =	sdelay $0x1  }
0x2bc: {  	v0 =	vadd.f32 v1, v0;
	_ =	sdelay $0x1  }
0x2bd: {  	[tilespmem:s23+$0x0] =	vst v0  }
0x2be: {  	_ =	swait.ge [sflag:s18], $0x3200  }
0x2bf: {  	s30 =	simm.s32 $0x0;
	[sflag:s18] =	ssyncset.done $0x0  }
0x2c0: {  	s24 =	sand.u32 $0x1F0, s30;
	[sflag:s18] =	ssyncadd.s32 $0xFFFFCE00  }
0x2c1: {  	v0 =	vld [tilespmem:s24+$0x16000]  }
0x2c2: {  	v1 =	vld [tilespmem:s24+$0x15E00]  }
0x2c3: {  	v2 =	vld [tilespmem:s24+$0x16200]  }
0x2c4: {  	v3 =	vld [tilespmem:s24+$0x16400]  }
0x2c5: {  	v4 =	vld [tilespmem:s24+$0x16600]  }
0x2c6: {  	v5 =	vld [tilespmem:s24+$0x16800]  }
0x2c7: {  	v6 =	vld [tilespmem:s24+$0x16A00]  }
0x2c8: {  	v7 =	vld [tilespmem:s24+$0x16C00]  }
0x2c9: {  	v8 =	vld [tilespmem:s24+$0x16E00]  }
0x2ca: {  	v9 =	vld [tilespmem:s24+$0x17000]  }
0x2cb: {  	v10 =	vld [tilespmem:s24+$0x17200]  }
0x2cc: {  	v11 =	vld [tilespmem:s24+$0x17400]  }
0x2cd: {  	v12 =	vld [tilespmem:s24+$0x17600]  }
0x2ce: {  	v13 =	vld [tilespmem:s24+$0x17800]  }
0x2cf: {  	v14 =	vld [tilespmem:s24+$0x17A00]  }
0x2d0: {  	v15 =	vld [tilespmem:s24+$0x17C00]  }
0x2d1: {  	v16 =	vld [tilespmem:s24+$0x17E00]  }
0x2d2: {  	v17 =	vld [tilespmem:s24+$0x18000]  }
0x2d3: {  	v18 =	vld [tilespmem:s24+$0x18200]  }
0x2d4: {  	v19 =	vld [tilespmem:s24+$0x18400]  }
0x2d5: {  	v20 =	vld [tilespmem:s24+$0x18600]  }
0x2d6: {  	v21 =	vld [tilespmem:s24+$0x18800]  }
0x2d7: {  	v0 =	vadd.f32 v0, v1;
	v1 =	vadd.f32 v3, v2;
	v2 =	vld [tilespmem:s24+$0x18A00]  }
0x2d8: {  	v3 =	vadd.f32 v5, v4;
	v4 =	vadd.f32 v7, v6;
	v5 =	vld [tilespmem:s24+$0x18C00]  }
0x2d9: {  	s23 =	simm.s32 $0x19000;
	v6 =	vadd.f32 v11, v10;
	v10 =	vadd.f32 v17, v16  }
0x2da: {  	v7 =	vld [tilespmem:s23+$0x0];
	v11 =	vadd.f32 v19, v18;
	v0 =	vadd.f32 v1, v0  }
0x2db: {  	v1 =	vadd.f32 v4, v3;
	v3 =	vld [tilespmem:s24+$0x18E00];
	v4 =	vadd.f32 v9, v8  }
0x2dc: {  	v8 =	vadd.f32 v13, v12;
	v9 =	vadd.f32 v15, v14  }
0x2dd: {  	v12 =	vadd.f32 v21, v20;
	v2 =	vadd.f32 v5, v2  }
0x2de: {  	v4 =	vadd.f32 v6, v4;
	v6 =	vadd.f32 v11, v10  }
0x2df: {  	v5 =	vadd.f32 v9, v8;
	v2 =	vadd.f32 v2, v12  }
0x2e0: {  	v0 =	vadd.f32 v1, v0;
	v3 =	vadd.f32 v7, v3  }
0x2e1: {  	v1 =	vadd.f32 v5, v4;
	v2 =	vadd.f32 v2, v6;
	_ =	sdelay $0x1  }
0x2e2: {  	v0 =	vadd.f32 v1, v0;
	v1 =	vadd.f32 v3, v2;
	_ =	sdelay $0x1  }
0x2e3: {  	v0 =	vadd.f32 v1, v0  }
0x2e4: {  	s31 =	simm.s32 $0x10  }
0x2e5: {  	s25 =	sand.u32 $0x1F0, s31;
	[tilespmem:s23+$0x0] =	vst v0  }
0x2e6: {  	v14 =	vld [tilespmem:s25+$0x16000]  }
0x2e7: {  	v15 =	vld [tilespmem:s25+$0x15E00]  }
0x2e8: {  	v16 =	vld [tilespmem:s25+$0x16200]  }
0x2e9: {  	v17 =	vld [tilespmem:s25+$0x16400]  }
0x2ea: {  	v18 =	vld [tilespmem:s25+$0x16600]  }
0x2eb: {  	v19 =	vld [tilespmem:s25+$0x16800]  }
0x2ec: {  	v20 =	vld [tilespmem:s25+$0x16A00]  }
0x2ed: {  	v63 =	vld [tilespmem:s25+$0x16C00]  }
0x2ee: {  	v0 =	vld [tilespmem:s25+$0x16E00]  }
0x2ef: {  	v1 =	vld [tilespmem:s25+$0x17000]  }
0x2f0: {  	v3 =	vld [tilespmem:s25+$0x17200]  }
0x2f1: {  	v5 =	vld [tilespmem:s25+$0x17400]  }
0x2f2: {  	v2 =	vld [tilespmem:s25+$0x17600]  }
0x2f3: {  	v4 =	vld [tilespmem:s25+$0x17800]  }
0x2f4: {  	v6 =	vld [tilespmem:s25+$0x17A00]  }
0x2f5: {  	v7 =	vld [tilespmem:s25+$0x17C00]  }
0x2f6: {  	v8 =	vld [tilespmem:s25+$0x17E00]  }
0x2f7: {  	v9 =	vld [tilespmem:s25+$0x18000]  }
0x2f8: {  	v10 =	vld [tilespmem:s25+$0x18200]  }
0x2f9: {  	v11 =	vld [tilespmem:s25+$0x18400]  }
0x2fa: {  	v12 =	vld [tilespmem:s25+$0x18600]  }
0x2fb: {  	v13 =	vld [tilespmem:s25+$0x18800];
	v15 =	vadd.f32 v14, v15;
	v16 =	vadd.f32 v17, v16  }
0x2fc: {  	s24 =	simm.s32 $0x20;
	v14 =	vld [tilespmem:s25+$0x18A00];
	v17 =	vadd.f32 v19, v18;
	v18 =	vadd.f32 v63, v20  }
.LBB2_16:
0x2fd: {  	p0 =	sne.s32 s24, $0x1F0;
	v19 =	vld [tilespmem:s25+$0x18C00]  }
0x2fe: {  	v15 =	vadd.f32 v16, v15;
	v16 =	vadd.f32 v18, v17  }
0x2ff: {  	v0 =	vadd.f32 v1, v0;
	v1 =	vadd.f32 v5, v3;
	s23 =	sadd.s32 $0x10, s23;
	v17 =	vld [tilespmem:s25+$0x18E00]  }
0x300: {  	v2 =	vadd.f32 v4, v2;
	v4 =	vadd.f32 v7, v6;
	v3 =	vld [tilespmem:s23+$0x0]  }
0x301: {  	v5 =	vadd.f32 v9, v8;
	v6 =	vadd.f32 v11, v10  }
0x302: {  	v7 =	vadd.f32 v13, v12;
	v8 =	vadd.f32 v19, v14  }
0x303: {  	v0 =	vadd.f32 v1, v0;
	v1 =	vadd.f32 v4, v2  }
0x304: {  	v2 =	vadd.f32 v6, v5;
	v4 =	vadd.f32 v8, v7  }
0x305: {  	v5 =	vadd.f32 v16, v15;
	v3 =	vadd.f32 v3, v17  }
0x306: {  	v0 =	vadd.f32 v1, v0;
	v1 =	vadd.f32 v4, v2;
	_ =	sdelay $0x1  }
0x307: {  	v0 =	vadd.f32 v0, v5;
	v1 =	vadd.f32 v3, v1;
	_ =	sdelay $0x1  }
0x308: {  	v0 =	vadd.f32 v1, v0;
	_ =	sdelay $0x1  }
0x309: {  	s25 =	sand.u32 $0x1F0, s24;
	[tilespmem:s23+$0x0] =	vst v0  }
0x30a: {  	v14 =	vld [tilespmem:s25+$0x16000]  }
0x30b: {  	v15 =	vld [tilespmem:s25+$0x15E00]  }
0x30c: {  	v16 =	vld [tilespmem:s25+$0x16200]  }
0x30d: {  	v17 =	vld [tilespmem:s25+$0x16400]  }
0x30e: {  	v18 =	vld [tilespmem:s25+$0x16600]  }
0x30f: {  	v19 =	vld [tilespmem:s25+$0x16800]  }
0x310: {  	v20 =	vld [tilespmem:s25+$0x16A00]  }
0x311: {  	v21 =	vld [tilespmem:s25+$0x16C00]  }
0x312: {  	v0 =	vld [tilespmem:s25+$0x16E00]  }
0x313: {  	v1 =	vld [tilespmem:s25+$0x17000]  }
0x314: {  	v3 =	vld [tilespmem:s25+$0x17200]  }
0x315: {  	v5 =	vld [tilespmem:s25+$0x17400]  }
0x316: {  	v2 =	vld [tilespmem:s25+$0x17600]  }
0x317: {  	v4 =	vld [tilespmem:s25+$0x17800]  }
0x318: {  	v6 =	vld [tilespmem:s25+$0x17A00]  }
0x319: {  	v7 =	vld [tilespmem:s25+$0x17C00]  }
0x31a: {  	v8 =	vld [tilespmem:s25+$0x17E00]  }
0x31b: {  	v9 =	vld [tilespmem:s25+$0x18000]  }
.Ltmp7:
0x31c: {  	v10 =	vld [tilespmem:s25+$0x18200];
	(pc) =	sbr.rel @p0 .LBB2_16-.Ltmp7, $4  }
0x31d: {  	v11 =	vld [tilespmem:s25+$0x18400]  }
0x31e: {  	v12 =	vld [tilespmem:s25+$0x18600]  }
0x31f: {  	v15 =	vadd.f32 v14, v15;
	v16 =	vadd.f32 v17, v16;
	v13 =	vld [tilespmem:s25+$0x18800]  }
0x320: {  	s24 =	sadd.s32 $0x10, s24;
	v17 =	vadd.f32 v19, v18;
	v18 =	vadd.f32 v21, v20;
	v14 =	vld [tilespmem:s25+$0x18A00]  }
0x321: {  	v19 =	vld [tilespmem:s25+$0x18C00]  }
0x322: {  	v15 =	vadd.f32 v16, v15;
	v0 =	vadd.f32 v1, v0  }
0x323: {  	v52 =	vadd.f32 v5, v3;
	v2 =	vadd.f32 v4, v2  }
0x324: {  	v51 =	vld [tilespmem:s25+$0x18E00];
	s23 =	sadd.s32 $0x10, s23;
	v54 =	vadd.f32 v7, v6;
	v55 =	vadd.f32 v9, v8  }
0x325: {  	v50 =	vadd.f32 v18, v17;
	v53 =	vld [tilespmem:s23+$0x0];
	v56 =	vadd.f32 v11, v10  }
0x326: {  	v57 =	vadd.f32 v13, v12;
	v58 =	vadd.f32 v19, v14  }
0x327: {  	v0 =	vadd.f32 v52, v0;
	v59 =	vadd.f32 v54, v2  }
0x328: {  	v60 =	vadd.f32 v56, v55;
	v61 =	vadd.f32 v58, v57  }
0x329: {  	v62 =	vadd.f32 v50, v15;
	v0 =	vadd.f32 v59, v0  }
0x32a: {  	v3 =	vadd.f32 v53, v51;
	v63 =	vadd.f32 v61, v60;
	_ =	sdelay $0x1  }
0x32b: {  	v0 =	vadd.f32 v0, v62;
	v1 =	vadd.f32 v3, v63;
	_ =	sdelay $0x1  }
0x32c: {  	s22 =	sadd.s32 $0x1, s22;
	v0 =	vadd.f32 v1, v0  }
0x32d: {  	p0 =	sne.s32 s22, s7  }
.Ltmp8:
0x32e: {  	[tilespmem:s23+$0x0] =	vst v0;
	(pc) =	sbr.rel @p0 .LBB2_1-.Ltmp8, $4  }
0x32f: {  	[hbm4b:s6+s3] =	stream.linear.scatter [tilespmem:s21], [sflag:$0x4], $0x200, $0x38;
	[tilespmem:$0x19280] =	vst v63  }
0x330: {  	_ =	swait.ge [sflag:s11], $0x200  }
0x331: {  	[sflag:s11] =	ssyncset.done $0x0  }
0x332: {  	[sflag:s11] =	ssyncadd.s32 $0xFFFFFE00  }
0x333: {  	_ =	sfence.sel $0x180000  }
0x334: {  	[bflag:$0x0] =	sbarrier.arrive $0xFFFF  }
0x335: {  	p0 =	sne.s32 s2, $0x0;
	_ =	strace $0x90000047  }
0x336: {  	s0 =	sadd.s32 @!p0 $0x100000, s0;
	[bflag:$0x2] =	sbarrier.arrive $0xFFFF  }
0x337: {  	[sflag:s0] =	ssyncadd.tile.s32 @!p0 $0x1;
	_ =	shalt  }
.Lfunc_end2:
_tile_overlayer_lowered:
.L_overlay_start_2:
0x338: {  	(tag) =	ssettag $0x2  }
0x339: {  	s0 =	rddreg [dreg:$0x0];
	s2 =	stileid.u32  }
0x33a: {  	s1 =	rddreg [dreg:$0x1];
	p0 =	sne.s32 s2, $0x0  }
0x33b: {  	s3 =	rddreg [dreg:$0x2];
	[bflag:$0x3] =	sbarrier.arrive $0xFFFF;
	s2 =	simm.s32 @!p0 $0x1C04  }
0x33c: {  	[timem:s3], [sflag:s2] =	dma.local @!p0 [hbm:s0], s1  }
0x33d: {  	s0 =	simm.s32 @!p0 $0x4  }
0x33e: {  	_ =	swait.ge @!p0 [sflag:s0], s1  }
0x33f: {  	s1 =	ssub.s32 @!p0 $0x0, s1;
	[sflag:s0] =	ssyncset.done @!p0 $0x0  }
0x340: {  	[sflag:s0] =	ssyncadd.s32 @!p0 s1  }
0x341: {  	[bflag:$0x3] =	sbarrier.arrive $0xFFFF  }
0x342: {  	_ =	shalt  }

</sc_bundles>
